<compile_context>
chip_gen: v7x
topology: tpu7x:2x2x1
jax: 0.10.2.dev20260603
libtpu: 0.0.44.dev20260713+nightly
codegen_flags: <defaults>
</compile_context>

<pallas_src>
import functools

import jax
import jax.numpy as jnp
from jax import lax
from jax.experimental import pallas as pl
from jax.experimental.pallas import tpu as pltpu
from jax.experimental.pallas import tpu_sc as plsc

N = 10000
E = 320000
D = 128

NC = 2
NS = 16
NW = NC * NS
B = 128
NB_W = 79
E_PAD = NW * NB_W * B
ACC_N = 10112
ROWS_T = ACC_N // NS

_mesh = functools.partial(
    plsc.VectorSubcoreMesh, core_axis_name="c", subcore_axis_name="s")


def _deg_body(dst1d, out_hbm, idx_v, acc_v, *, nb):
    cid = lax.axis_index("c")
    sid = lax.axis_index("s")
    wid = sid * NC + cid
    nrow = ACC_N // B

    def zrow(i, _):
        def zcol(j, _):
            acc_v[i, pl.ds(j * 16, 16)] = jnp.zeros((16,), jnp.float32)
            return 0
        lax.fori_loop(0, B // 16, zcol, 0)
        return 0

    lax.fori_loop(0, nrow, zrow, 0)

    ones = jnp.ones((16,), jnp.float32)
    seven = jnp.full((16,), 7, jnp.int32)
    mask7 = jnp.full((16,), B - 1, jnp.int32)

    pltpu.sync_copy(dst1d.at[pl.ds(wid * nb * B, nb * B)], idx_v)

    def inner(j, _):
        idx = idx_v[pl.ds(j * 16, 16)]
        hi = lax.shift_right_logical(idx, seven)
        lo = lax.bitwise_and(idx, mask7)
        plsc.addupdate_scatter(acc_v, [hi, lo], ones)
        return 0

    lax.fori_loop(0, nb * B // 16, inner, 0)
    pltpu.sync_copy(acc_v, out_hbm.at[wid])


def _deg_call(dst1d):
    nb = dst1d.shape[0] // (NW * B)
    body = functools.partial(_deg_body, nb=nb)
    return pl.kernel(
        body,
        out_type=jax.ShapeDtypeStruct((NW, ACC_N // B, B), jnp.float32),
        mesh=_mesh(),
        scratch_types=[
            pltpu.VMEM((NB_W * B,), jnp.int32),
            pltpu.VMEM((ACC_N // B, B), jnp.float32),
        ],
        compiler_params=pltpu.CompilerParams(needs_layout_passes=False),
    )(dst1d)


NB0 = 132
NB1 = 2 * NB_W - NB0


def _agg_body(table, src1d, dst2d, z128, out_hbm,
              sidx_v, didx_v, bufs_v, acc_sh, gs0, gs1, ss0, ss1, *, nbr):
    cid = lax.axis_index("c")
    sid = lax.axis_index("s")
    r0 = sid * ROWS_T
    gsem = (gs0, gs1)
    ssem = (ss0, ss1)
    nb = jnp.where(cid == 0, NB0, NB1)
    base_row = sid * (NB0 + NB1) + cid * NB0
    pltpu.sync_copy(src1d.at[pl.ds(base_row * B, NB0 * B)], sidx_v)
    pltpu.sync_copy(z128.at[pl.ds(r0, ROWS_T)], acc_sh.at[pl.ds(r0, ROWS_T)])
    plsc.subcore_barrier()

    def buf(k):
        return bufs_v.at[pl.ds(k * B, B)]

    def wait_scatter(k):
        pltpu.make_async_copy(z128.at[pl.ds(0, B)], buf(k), ssem[k]).wait()

    def wait_gather(k):
        pltpu.make_async_copy(z128.at[pl.ds(0, B)], buf(k), gsem[k]).wait()
        pltpu.make_async_copy(dst2d.at[pl.ds(0, 1)],
                              didx_v.at[pl.ds(k, 1)], gsem[k]).wait()

    def macro(m, _):
        for k in range(2):
            b = m * 2 + k

            @pl.when(b < nb)
            def _():
                @pl.when(b >= 2)
                def _():
                    wait_scatter(k)
                pltpu.async_copy(dst2d.at[pl.ds(base_row + b, 1)],
                                 didx_v.at[pl.ds(k, 1)], gsem[k])
                pltpu.async_copy(table.at[sidx_v.at[pl.ds(b * B, B)]],
                                 buf(k), gsem[k])

            bs = b - 1
            ks = 1 - k

            @pl.when(jnp.logical_and(bs >= 0, bs < nb))
            def _():
                wait_gather(ks)
                pltpu.async_copy(buf(ks), acc_sh.at[didx_v.at[ks]],
                                 ssem[ks], add=True)
        return 0

    lax.fori_loop(0, (nb + 3) // 2, macro, 0)
    wait_scatter(0)
    wait_scatter(1)
    plsc.subcore_barrier()
    pltpu.sync_copy(acc_sh.at[pl.ds(r0, ROWS_T)],
                    out_hbm.at[cid, pl.ds(r0, ROWS_T)])


def _agg_call(table, src1d, dst2d, z128):
    body = functools.partial(_agg_body, nbr=0)
    return pl.kernel(
        body,
        out_type=jax.ShapeDtypeStruct((NC, ACC_N, D), jnp.float32),
        mesh=_mesh(),
        scratch_types=[
            pltpu.VMEM((NB0 * B,), jnp.int32),
            pltpu.VMEM((2, B), jnp.int32),
            pltpu.VMEM((2 * B, D), jnp.float32),
            pltpu.VMEM_SHARED((ACC_N, D), jnp.float32),
        ] + [pltpu.SemaphoreType.DMA] * 4,
    )(table, src1d, dst2d, z128)


_R = 1000


def _dis_body(dp_ref, o_ref):
    deg = 1.0 + jnp.sum(dp_ref[...], axis=0)
    o_ref[...] = lax.rsqrt(deg)


def _dis_call(dp):
    return pl.pallas_call(
        _dis_body,
        out_shape=jax.ShapeDtypeStruct((ACC_N // B, B), jnp.float32),
    )(dp)


def _t1_body(x_ref, fm_ref, w1_ref, dis_ref, o_ref):
    xm = x_ref[...] * jax.nn.sigmoid(fm_ref[...])
    o_ref[...] = jnp.dot(xm, w1_ref[...],
                         preferred_element_type=jnp.float32) * dis_ref[...]


def _t2_body(p_ref, y1_ref, dis_ref, b1_ref, w2_ref, o_ref):
    dis = dis_ref[...]
    s = p_ref[0] + p_ref[1]
    h = jax.nn.relu(dis * (s + y1_ref[...]) + b1_ref[...])
    o_ref[...] = jnp.dot(h, w2_ref[...],
                         preferred_element_type=jnp.float32) * dis


def _t3_body(p_ref, y2_ref, dis_ref, b2_ref, wc_ref, bc_ref, o_ref):
    dis = dis_ref[...]
    z = dis * (p_ref[0] + p_ref[1] + y2_ref[...]) + b2_ref[...]
    o_ref[...] = jnp.dot(z, wc_ref[...],
                         preferred_element_type=jnp.float32) + bc_ref[...]


def _row_specs():
    full = pl.BlockSpec((1, D), lambda i: (0, 0))
    mat = pl.BlockSpec((D, D), lambda i: (0, 0))
    rows = pl.BlockSpec((_R, D), lambda i: (i, 0))
    dis = pl.BlockSpec((_R, 1), lambda i: (i, 0))
    pair = pl.BlockSpec((2, _R, D), lambda i: (0, i, 0))
    return full, mat, rows, dis, pair


def _t1_call(x, fm, w1, dis):
    full, mat, rows, dis_s, _ = _row_specs()
    return pl.pallas_call(
        _t1_body,
        grid=(N // _R,),
        in_specs=[rows, full, mat, dis_s],
        out_specs=rows,
        out_shape=jax.ShapeDtypeStruct((N, D), jnp.float32),
    )(x, fm, w1, dis)


def _t2_call(p, y1, dis, b1, w2):
    full, mat, rows, dis_s, pair = _row_specs()
    return pl.pallas_call(
        _t2_body,
        grid=(N // _R,),
        in_specs=[pair, rows, dis_s, full, mat],
        out_specs=rows,
        out_shape=jax.ShapeDtypeStruct((N, D), jnp.float32),
    )(p, y1, dis, b1, w2)


def _t3_call(p, y2, dis, b2, wc, bc):
    full, mat, rows, dis_s, pair = _row_specs()
    return pl.pallas_call(
        _t3_body,
        grid=(N // _R,),
        in_specs=[pair, rows, dis_s, full, mat, full],
        out_specs=rows,
        out_shape=jax.ShapeDtypeStruct((N, D), jnp.float32),
    )(p, y2, dis, b2, wc, bc)


def kernel(x, edge_index, feature_mask, W1, b1, W2, b2, Wc, bc):
    src = edge_index[0]
    dst = edge_index[1]
    pad = E_PAD - E
    src_len = (15 * (NB0 + NB1) + NB0 + NB0) * B
    src1d = jnp.concatenate([src, jnp.zeros((src_len - E,), jnp.int32)])
    dst_p = jnp.concatenate([dst, jnp.full((pad,), N, jnp.int32)])
    dst2d = dst_p.reshape(E_PAD // B, B)

    z128 = jnp.zeros((ACC_N, D), jnp.float32)

    fm = feature_mask.reshape(1, D)
    b1r = b1.reshape(1, D)
    b2r = b2.reshape(1, D)
    wc_pad = jnp.pad(Wc, ((0, 0), (0, D - Wc.shape[1])))
    bc_pad = jnp.pad(bc, (0, D - bc.shape[0])).reshape(1, D)

    dp = _deg_call(dst_p)
    dis = _dis_call(dp).reshape(ACC_N)[:N].reshape(N, 1)

    y1 = _t1_call(x, fm, W1, dis)
    p1 = _agg_call(y1, src1d, dst2d, z128)[:, :N]
    y2 = _t2_call(p1, y1, dis, b1r, W2)
    p2 = _agg_call(y2, src1d, dst2d, z128)[:, :N]
    out = _t3_call(p2, y2, dis, b2r, wc_pad, bc_pad)
    return out[:, :Wc.shape[1]]

# --- scband reference (transcript-rebuilt; emitter-appended) ---
"""Pipeline reference for scband-sefraud-inspired-5342939316749 (READ-ONLY COPY).

The authoritative reference and input builder live on the scoring server;
editing this copy changes nothing except your own understanding.
"""

import jax, jax.numpy as jnp
import numpy as np

N = 10000
E = 320000
D = 128
H = 128
OUT = 2


def setup_inputs(seed: int = 0) -> dict:
    key = jax.random.key(seed)
    ks = jax.random.split(key, 9)
    x = jax.random.normal(ks[0], (N, D), dtype=jnp.float32)
    edge_index = jax.random.randint(ks[1], (2, E), 0, N, dtype=jnp.int32)
    feature_mask = jnp.ones((D,), dtype=jnp.float32)
    W1 = 0.1 * jax.random.normal(ks[2], (D, H), dtype=jnp.float32)
    b1 = jnp.zeros((H,), dtype=jnp.float32)
    W2 = 0.1 * jax.random.normal(ks[3], (H, H), dtype=jnp.float32)
    b2 = jnp.zeros((H,), dtype=jnp.float32)
    Wc = 0.1 * jax.random.normal(ks[4], (H, OUT), dtype=jnp.float32)
    bc = jnp.zeros((OUT,), dtype=jnp.float32)
    return {"x": x, "edge_index": edge_index, "feature_mask": feature_mask,
            "W1": W1, "b1": b1, "W2": W2, "b2": b2, "Wc": Wc, "bc": bc}


def _gcn_conv(x, src, dst, W, b, n):
    # PyG-style GCNConv: linear transform, add self-loops, symmetric normalization,
    # scatter-add aggregation by destination node.
    xw = x @ W
    loop = jnp.arange(n, dtype=src.dtype)
    s = jnp.concatenate([src, loop])
    d = jnp.concatenate([dst, loop])
    deg = jax.ops.segment_sum(jnp.ones(s.shape[0], dtype=xw.dtype), d, num_segments=n)
    deg_inv_sqrt = jnp.where(deg > 0, 1.0 / jnp.sqrt(deg), 0.0)
    norm = deg_inv_sqrt[s] * deg_inv_sqrt[d]
    msgs = xw[s] * norm[:, None]
    out = jax.ops.segment_sum(msgs, d, num_segments=n)
    return out + b


def reference(x, edge_index, feature_mask, W1, b1, W2, b2, Wc, bc):
    n = x.shape[0]
    src = edge_index[0]
    dst = edge_index[1]
    x_masked = x * jax.nn.sigmoid(feature_mask)
    h = jax.nn.relu(_gcn_conv(x_masked, src, dst, W1, b1, n))
    # dropout is identity in eval mode
    h = _gcn_conv(h, src, dst, W2, b2, n)
    out = h @ Wc + bc
    return out

if __name__ == "__main__":
    import jax
    _d = setup_inputs()
    print(jax.jit(kernel)(*tuple(_d.values())))

</pallas_src>

<mosaic_0001>
#map = affine_map<(d0, d1) -> (0, 0)>
#map1 = affine_map<(d0, d1) -> (0)>
#map2 = affine_map<(d0, d1) -> (0, 0, 0)>
module attributes {stable_mosaic.version = 14 : i64} {
  func.func @_agg_body(%arg0: i32, %arg1: i32, %arg2: memref<10000x128xf32, #tpu.memory_space<hbm>>, %arg3: memref<337152xi32, #tpu.memory_space<hbm>>, %arg4: memref<2528x128xi32, #tpu.memory_space<hbm>>, %arg5: memref<10112x128xf32, #tpu.memory_space<hbm>>, %arg6: memref<2x10112x128xf32, #tpu.memory_space<hbm>>, %arg7: memref<16896xi32, #tpu.memory_space<vmem>>, %arg8: memref<2x128xi32, #tpu.memory_space<vmem>>, %arg9: memref<256x128xf32, #tpu.memory_space<vmem>>, %arg10: memref<10112x128xf32, #tpu.memory_space<vmem_shared>>, %arg11: memref<!tpu.dma_semaphore, #tpu.memory_space<semaphore_mem>>, %arg12: memref<!tpu.dma_semaphore, #tpu.memory_space<semaphore_mem>>, %arg13: memref<!tpu.dma_semaphore, #tpu.memory_space<semaphore_mem>>, %arg14: memref<!tpu.dma_semaphore, #tpu.memory_space<semaphore_mem>>) attributes {dimension_semantics = [#tpu.dimension_semantics<core_parallel>, #tpu.dimension_semantics<subcore_parallel>], iteration_bounds = array<i64: 2, 16>, scalar_prefetch = 0 : i64, scratch_operands = 8 : i64, tpu.core_type = #tpu.core_type<sc_vector_subcore>, window_params = [{transform_indices = #map}, {transform_indices = #map1}, {transform_indices = #map}, {transform_indices = #map}, {transform_indices = #map2}]} {
    %mul3A = arith.constant 632 : i32
    %mul3A_0 = arith.muli %arg1, %mul3A : i32
    %eq3A = arith.constant 0 : i32
    %eq3A_1 = arith.cmpi eq, %arg0, %eq3A : i32
    %jit3A = arith.constant 132 : i32
    %jit3A_2 = arith.constant 26 : i32
    %select_n3A = arith.select %eq3A_1, %jit3A, %jit3A_2 : i32
    %mul3A_3 = arith.constant 158 : i32
    %mul3A_4 = arith.muli %arg1, %mul3A_3 : i32
    %mul3A_5 = arith.constant 132 : i32
    %mul3A_6 = arith.muli %arg0, %mul3A_5 : i32
    %add3A = arith.addi %mul3A_4, %mul3A_6 : i32
    %mul3A_7 = arith.constant 128 : i32
    %mul3A_8 = arith.muli %add3A, %mul3A_7 : i32
    "tpu.region"() ({
      %run_scoped3A = tpu.sem_alloc : memref<!tpu.dma_semaphore, #tpu.memory_space<semaphore_mem>>
      %dma_start3A = tpu.memref_slice %arg3[%mul3A_8] : memref<337152xi32, #tpu.memory_space<hbm>> -> memref<16896xi32, #tpu.memory_space<hbm>>
      %dma_start3A_64 = tpu.memref_slice %arg3[%mul3A_8] : memref<337152xi32, #tpu.memory_space<hbm>> -> memref<16896xi32, #tpu.memory_space<hbm>>
      tpu.enqueue_dma source(%dma_start3A_64 : memref<16896xi32, #tpu.memory_space<hbm>>) target(%arg7 : memref<16896xi32, #tpu.memory_space<vmem>>) target_semaphore(%run_scoped3A : memref<!tpu.dma_semaphore, #tpu.memory_space<semaphore_mem>>)
      %dma_wait3A_65 = tpu.memref_slice %arg3[%mul3A_8] : memref<337152xi32, #tpu.memory_space<hbm>> -> memref<16896xi32, #tpu.memory_space<hbm>>
      %dma_wait3A_66 = tpu.memref_slice %arg3[%mul3A_8] : memref<337152xi32, #tpu.memory_space<hbm>> -> memref<16896xi32, #tpu.memory_space<hbm>>
      tpu.wait_dma2 semaphore(%run_scoped3A : memref<!tpu.dma_semaphore, #tpu.memory_space<semaphore_mem>>) src(%dma_wait3A_66 : memref<16896xi32, #tpu.memory_space<hbm>>) dst(%arg7 : memref<16896xi32, #tpu.memory_space<vmem>>)
      tpu.yield
    }) : () -> ()
    "tpu.region"() ({
      %run_scoped3A = tpu.sem_alloc : memref<!tpu.dma_semaphore, #tpu.memory_space<semaphore_mem>>
      %dma_start3A = arith.constant 0 : i32
      %dma_start3A_64 = tpu.memref_slice %arg10[%mul3A_0, %dma_start3A] : memref<10112x128xf32, #tpu.memory_space<vmem_shared>> -> memref<632x128xf32, #tpu.memory_space<vmem_shared>>
      %dma_start3A_65 = arith.constant 0 : i32
      %dma_start3A_66 = tpu.memref_slice %arg5[%mul3A_0, %dma_start3A_65] : memref<10112x128xf32, #tpu.memory_space<hbm>> -> memref<632x128xf32, #tpu.memory_space<hbm>>
      tpu.enqueue_dma source(%dma_start3A_66 : memref<632x128xf32, #tpu.memory_space<hbm>>) target(%dma_start3A_64 : memref<632x128xf32, #tpu.memory_space<vmem_shared>>) target_semaphore(%run_scoped3A : memref<!tpu.dma_semaphore, #tpu.memory_space<semaphore_mem>>)
      %dma_wait3A_67 = arith.constant 0 : i32
      %dma_wait3A_68 = tpu.memref_slice %arg10[%mul3A_0, %dma_wait3A_67] : memref<10112x128xf32, #tpu.memory_space<vmem_shared>> -> memref<632x128xf32, #tpu.memory_space<vmem_shared>>
      %dma_wait3A_69 = arith.constant 0 : i32
      %dma_wait3A_70 = tpu.memref_slice %arg5[%mul3A_0, %dma_wait3A_69] : memref<10112x128xf32, #tpu.memory_space<hbm>> -> memref<632x128xf32, #tpu.memory_space<hbm>>
      tpu.wait_dma2 semaphore(%run_scoped3A : memref<!tpu.dma_semaphore, #tpu.memory_space<semaphore_mem>>) src(%dma_wait3A_70 : memref<632x128xf32, #tpu.memory_space<hbm>>) dst(%dma_wait3A_68 : memref<632x128xf32, #tpu.memory_space<vmem_shared>>)
      tpu.yield
    }) : () -> ()
    %barrier3A = arith.constant 0 : index
    tpu.barrier barrier_id(%barrier3A)
    %add3A_9 = arith.constant 3 : i32
    %add3A_10 = arith.addi %select_n3A, %add3A_9 : i32
    %jit3A_11 = arith.constant 2 : i32
    %div3A = arith.divsi %add3A_10, %jit3A_11 : i32
    %sign3A = arith.constant 0 : i32
    %sign3A_12 = arith.cmpi sgt, %add3A_10, %sign3A : i32
    %sign3A_13 = arith.extui %sign3A_12 : i1 to i32
    %sign3A_14 = arith.constant 0 : i32
    %sign3A_15 = arith.cmpi slt, %add3A_10, %sign3A_14 : i32
    %sign3A_16 = arith.extui %sign3A_15 : i1 to i32
    %sign3A_17 = arith.subi %sign3A_13, %sign3A_16 : i32
    %sign3A_18 = arith.constant 0 : i32
    %sign3A_19 = arith.cmpi sgt, %jit3A_11, %sign3A_18 : i32
    %sign3A_20 = arith.extui %sign3A_19 : i1 to i32
    %sign3A_21 = arith.constant 0 : i32
    %sign3A_22 = arith.cmpi slt, %jit3A_11, %sign3A_21 : i32
    %sign3A_23 = arith.extui %sign3A_22 : i1 to i32
    %sign3A_24 = arith.subi %sign3A_20, %sign3A_23 : i32
    %ne3A = arith.cmpi ne, %sign3A_17, %sign3A_24 : i32
    %rem3A = arith.remsi %add3A_10, %jit3A_11 : i32
    %ne3A_25 = arith.constant 0 : i32
    %ne3A_26 = arith.cmpi ne, %rem3A, %ne3A_25 : i32
    %and3A = arith.andi %ne3A, %ne3A_26 : i1
    %sub3A = arith.constant 1 : i32
    %sub3A_27 = arith.subi %div3A, %sub3A : i32
    %select_n3A_28 = arith.select %and3A, %sub3A_27, %div3A : i32
    %while3A = arith.constant 0 : i32
    %while3A_29 = arith.constant 0 : i32
    %while3A_30 = arith.subi %select_n3A_28, %while3A : i32
    %while3A_31 = arith.addi %while3A, %while3A_30 : i32
    %while3A_32 = arith.constant 1 : i32
    %while3A_33 = arith.divsi %while3A_30, %while3A_32 : i32
    %while3A_34 = arith.muli %while3A_33, %while3A_32 : i32
    %while3A_35 = arith.addi %while3A, %while3A_34 : i32
    %while3A_36 = arith.constant 1 : i32
    %while3A_37 = scf.for %while3A_64 = %while3A to %while3A_35 step %while3A_36 iter_args(%while3A_65 = %while3A_29) -> (i32)  : i32 {
      %mul3A_66 = arith.constant 2 : i32
      %mul3A_67 = arith.muli %while3A_64, %mul3A_66 : i32
      %add3A_68 = arith.constant 0 : i32
      %add3A_69 = arith.addi %mul3A_67, %add3A_68 : i32
      %lt3A = arith.cmpi slt, %add3A_69, %select_n3A : i32
      %convert_element_type3A = arith.extui %lt3A : i1 to i32
      %cond3A = arith.constant 0 : i32
      %cond3A_70 = arith.cmpi ne, %convert_element_type3A, %cond3A : i32
      scf.if %cond3A_70 {
        %ge3A_97 = arith.constant 2 : i32
        %ge3A_98 = arith.cmpi sge, %add3A_69, %ge3A_97 : i32
        %convert_element_type3A_99 = arith.extui %ge3A_98 : i1 to i32
        %cond3A_100 = arith.constant 0 : i32
        %cond3A_101 = arith.cmpi ne, %convert_element_type3A_99, %cond3A_100 : i32
        scf.if %cond3A_101 {
          %dma_wait3A_121 = arith.constant 0 : i32
          %dma_wait3A_122 = arith.constant 0 : i32
          %dma_wait3A_123 = tpu.memref_slice %arg9[%dma_wait3A_121, %dma_wait3A_122] : memref<256x128xf32, #tpu.memory_space<vmem>> -> memref<128x128xf32, #tpu.memory_space<vmem>>
          %dma_wait3A_124 = arith.constant 0 : i32
          %dma_wait3A_125 = arith.constant 0 : i32
          %dma_wait3A_126 = tpu.memref_slice %arg5[%dma_wait3A_124, %dma_wait3A_125] : memref<10112x128xf32, #tpu.memory_space<hbm>> -> memref<128x128xf32, #tpu.memory_space<hbm>>
          %dma_wait3A_127 = arith.constant 0 : i32
          %dma_wait3A_128 = arith.constant 0 : i32
          %dma_wait3A_129 = tpu.memref_slice %arg9[%dma_wait3A_127, %dma_wait3A_128] : memref<256x128xf32, #tpu.memory_space<vmem>> -> memref<128x128xf32, #tpu.memory_space<vmem>>
          %dma_wait3A_130 = arith.constant 0 : i32
          %dma_wait3A_131 = arith.constant 0 : i32
          %dma_wait3A_132 = tpu.memref_slice %arg5[%dma_wait3A_130, %dma_wait3A_131] : memref<10112x128xf32, #tpu.memory_space<hbm>> -> memref<128x128xf32, #tpu.memory_space<hbm>>
          tpu.wait_dma2 semaphore(%arg13 : memref<!tpu.dma_semaphore, #tpu.memory_space<semaphore_mem>>) src(%dma_wait3A_132 : memref<128x128xf32, #tpu.memory_space<hbm>>) dst(%dma_wait3A_129 : memref<128x128xf32, #tpu.memory_space<vmem>>)
        } else {
        }
        %add3A_102 = arith.addi %add3A, %add3A_69 : i32
        %dma_start3A = arith.constant 0 : i32
        %dma_start3A_103 = arith.constant 0 : i32
        %dma_start3A_104 = tpu.memref_slice %arg8[%dma_start3A, %dma_start3A_103] : memref<2x128xi32, #tpu.memory_space<vmem>> -> memref<1x128xi32, #tpu.memory_space<vmem>>
        %dma_start3A_105 = arith.constant 0 : i32
        %dma_start3A_106 = tpu.memref_slice %arg4[%add3A_102, %dma_start3A_105] : memref<2528x128xi32, #tpu.memory_space<hbm>> -> memref<1x128xi32, #tpu.memory_space<hbm>>
        %dma_start3A_107 = arith.constant 0 : i32
        %dma_start3A_108 = arith.constant 0 : i32
        %dma_start3A_109 = tpu.memref_slice %arg8[%dma_start3A_107, %dma_start3A_108] : memref<2x128xi32, #tpu.memory_space<vmem>> -> memref<1x128xi32, #tpu.memory_space<vmem>>
        %dma_start3A_110 = arith.constant 0 : i32
        %dma_start3A_111 = tpu.memref_slice %arg4[%add3A_102, %dma_start3A_110] : memref<2528x128xi32, #tpu.memory_space<hbm>> -> memref<1x128xi32, #tpu.memory_space<hbm>>
        tpu.enqueue_dma source(%dma_start3A_111 : memref<1x128xi32, #tpu.memory_space<hbm>>) target(%dma_start3A_109 : memref<1x128xi32, #tpu.memory_space<vmem>>) target_semaphore(%arg11 : memref<!tpu.dma_semaphore, #tpu.memory_space<semaphore_mem>>)
        %mul3A_112 = arith.constant 128 : i32
        %mul3A_113 = arith.muli %add3A_69, %mul3A_112 : i32
        %dma_start3A_114 = arith.constant 0 : i32
        %dma_start3A_115 = arith.constant 0 : i32
        %dma_start3A_116 = tpu.memref_slice %arg9[%dma_start3A_114, %dma_start3A_115] : memref<256x128xf32, #tpu.memory_space<vmem>> -> memref<128x128xf32, #tpu.memory_space<vmem>>
        %dma_start3A_117 = tpu.memref_slice %arg7[%mul3A_113] : memref<16896xi32, #tpu.memory_space<vmem>> -> memref<128xi32, #tpu.memory_space<vmem>>
        %dma_start3A_118 = arith.constant 0 : i32
        %dma_start3A_119 = arith.constant 0 : i32
        %dma_start3A_120 = tpu.memref_slice %arg2[%dma_start3A_118, %dma_start3A_119] : memref<10000x128xf32, #tpu.memory_space<hbm>> -> memref<10000x128xf32, #tpu.memory_space<hbm>>
        tpu.enqueue_indirect_dma source(%dma_start3A_120 : memref<10000x128xf32, #tpu.memory_space<hbm>>) target(%dma_start3A_116 : memref<128x128xf32, #tpu.memory_space<vmem>>) offsets(%dma_start3A_117 : memref<128xi32, #tpu.memory_space<vmem>>) semaphore(%arg11 : memref<!tpu.dma_semaphore, #tpu.memory_space<semaphore_mem>>)
      } else {
      }
      %sub3A_71 = arith.constant 1 : i32
      %sub3A_72 = arith.subi %add3A_69, %sub3A_71 : i32
      %ge3A = arith.constant 0 : i32
      %ge3A_73 = arith.cmpi sge, %sub3A_72, %ge3A : i32
      %lt3A_74 = arith.cmpi slt, %sub3A_72, %select_n3A : i32
      %and3A_75 = arith.andi %ge3A_73, %lt3A_74 : i1
      %convert_element_type3A_76 = arith.extui %and3A_75 : i1 to i32
      %cond3A_77 = arith.constant 0 : i32
      %cond3A_78 = arith.cmpi ne, %convert_element_type3A_76, %cond3A_77 : i32
      scf.if %cond3A_78 {
        %dma_wait3A_97 = arith.constant 128 : i32
        %dma_wait3A_98 = arith.constant 0 : i32
        %dma_wait3A_99 = tpu.memref_slice %arg9[%dma_wait3A_97, %dma_wait3A_98] : memref<256x128xf32, #tpu.memory_space<vmem>> -> memref<128x128xf32, #tpu.memory_space<vmem>>
        %dma_wait3A_100 = arith.constant 0 : i32
        %dma_wait3A_101 = arith.constant 0 : i32
        %dma_wait3A_102 = tpu.memref_slice %arg5[%dma_wait3A_100, %dma_wait3A_101] : memref<10112x128xf32, #tpu.memory_space<hbm>> -> memref<128x128xf32, #tpu.memory_space<hbm>>
        %dma_wait3A_103 = arith.constant 128 : i32
        %dma_wait3A_104 = arith.constant 0 : i32
        %dma_wait3A_105 = tpu.memref_slice %arg9[%dma_wait3A_103, %dma_wait3A_104] : memref<256x128xf32, #tpu.memory_space<vmem>> -> memref<128x128xf32, #tpu.memory_space<vmem>>
        %dma_wait3A_106 = arith.constant 0 : i32
        %dma_wait3A_107 = arith.constant 0 : i32
        %dma_wait3A_108 = tpu.memref_slice %arg5[%dma_wait3A_106, %dma_wait3A_107] : memref<10112x128xf32, #tpu.memory_space<hbm>> -> memref<128x128xf32, #tpu.memory_space<hbm>>
        tpu.wait_dma2 semaphore(%arg12 : memref<!tpu.dma_semaphore, #tpu.memory_space<semaphore_mem>>) src(%dma_wait3A_108 : memref<128x128xf32, #tpu.memory_space<hbm>>) dst(%dma_wait3A_105 : memref<128x128xf32, #tpu.memory_space<vmem>>)
        %dma_wait3A_109 = arith.constant 1 : i32
        %dma_wait3A_110 = arith.constant 0 : i32
        %dma_wait3A_111 = tpu.memref_slice %arg8[%dma_wait3A_109, %dma_wait3A_110] : memref<2x128xi32, #tpu.memory_space<vmem>> -> memref<1x128xi32, #tpu.memory_space<vmem>>
        %dma_wait3A_112 = arith.constant 0 : i32
        %dma_wait3A_113 = arith.constant 0 : i32
        %dma_wait3A_114 = tpu.memref_slice %arg4[%dma_wait3A_112, %dma_wait3A_113] : memref<2528x128xi32, #tpu.memory_space<hbm>> -> memref<1x128xi32, #tpu.memory_space<hbm>>
        %dma_wait3A_115 = arith.constant 1 : i32
        %dma_wait3A_116 = arith.constant 0 : i32
        %dma_wait3A_117 = tpu.memref_slice %arg8[%dma_wait3A_115, %dma_wait3A_116] : memref<2x128xi32, #tpu.memory_space<vmem>> -> memref<1x128xi32, #tpu.memory_space<vmem>>
        %dma_wait3A_118 = arith.constant 0 : i32
        %dma_wait3A_119 = arith.constant 0 : i32
        %dma_wait3A_120 = tpu.memref_slice %arg4[%dma_wait3A_118, %dma_wait3A_119] : memref<2528x128xi32, #tpu.memory_space<hbm>> -> memref<1x128xi32, #tpu.memory_space<hbm>>
        tpu.wait_dma2 semaphore(%arg12 : memref<!tpu.dma_semaphore, #tpu.memory_space<semaphore_mem>>) src(%dma_wait3A_120 : memref<1x128xi32, #tpu.memory_space<hbm>>) dst(%dma_wait3A_117 : memref<1x128xi32, #tpu.memory_space<vmem>>)
        %dma_start3A = arith.constant 1 : i32
        %dma_start3A_121 = arith.constant 128 : i32
        %dma_start3A_122 = arith.constant 0 : i32
        %dma_start3A_123 = tpu.memref_slice %arg9[%dma_start3A_121, %dma_start3A_122] : memref<256x128xf32, #tpu.memory_space<vmem>> -> memref<128x128xf32, #tpu.memory_space<vmem>>
        %dma_start3A_124 = arith.constant 0 : i32
        %dma_start3A_125 = tpu.memref_slice %arg8[%dma_start3A, %dma_start3A_124] : memref<2x128xi32, #tpu.memory_space<vmem>> -> memref<1x128xi32, #tpu.memory_space<vmem>>
        %dma_start3A_126 = tpu.memref_squeeze %dma_start3A_125 : memref<1x128xi32, #tpu.memory_space<vmem>> -> memref<128xi32, #tpu.memory_space<vmem>>
        %dma_start3A_127 = arith.constant 0 : i32
        %dma_start3A_128 = arith.constant 0 : i32
        %dma_start3A_129 = tpu.memref_slice %arg10[%dma_start3A_127, %dma_start3A_128] : memref<10112x128xf32, #tpu.memory_space<vmem_shared>> -> memref<10112x128xf32, #tpu.memory_space<vmem_shared>>
        tpu.enqueue_indirect_dma source(%dma_start3A_123 : memref<128x128xf32, #tpu.memory_space<vmem>>) target(%dma_start3A_129 : memref<10112x128xf32, #tpu.memory_space<vmem_shared>>) offsets(%dma_start3A_126 : memref<128xi32, #tpu.memory_space<vmem>>) semaphore(%arg14 : memref<!tpu.dma_semaphore, #tpu.memory_space<semaphore_mem>>) {add = true}
      } else {
      }
      %mul3A_79 = arith.constant 2 : i32
      %mul3A_80 = arith.muli %while3A_64, %mul3A_79 : i32
      %add3A_81 = arith.constant 1 : i32
      %add3A_82 = arith.addi %mul3A_80, %add3A_81 : i32
      %lt3A_83 = arith.cmpi slt, %add3A_82, %select_n3A : i32
      %convert_element_type3A_84 = arith.extui %lt3A_83 : i1 to i32
      %cond3A_85 = arith.constant 0 : i32
      %cond3A_86 = arith.cmpi ne, %convert_element_type3A_84, %cond3A_85 : i32
      scf.if %cond3A_86 {
        %ge3A_97 = arith.constant 2 : i32
        %ge3A_98 = arith.cmpi sge, %add3A_82, %ge3A_97 : i32
        %convert_element_type3A_99 = arith.extui %ge3A_98 : i1 to i32
        %cond3A_100 = arith.constant 0 : i32
        %cond3A_101 = arith.cmpi ne, %convert_element_type3A_99, %cond3A_100 : i32
        scf.if %cond3A_101 {
          %dma_wait3A_121 = arith.constant 128 : i32
          %dma_wait3A_122 = arith.constant 0 : i32
          %dma_wait3A_123 = tpu.memref_slice %arg9[%dma_wait3A_121, %dma_wait3A_122] : memref<256x128xf32, #tpu.memory_space<vmem>> -> memref<128x128xf32, #tpu.memory_space<vmem>>
          %dma_wait3A_124 = arith.constant 0 : i32
          %dma_wait3A_125 = arith.constant 0 : i32
          %dma_wait3A_126 = tpu.memref_slice %arg5[%dma_wait3A_124, %dma_wait3A_125] : memref<10112x128xf32, #tpu.memory_space<hbm>> -> memref<128x128xf32, #tpu.memory_space<hbm>>
          %dma_wait3A_127 = arith.constant 128 : i32
          %dma_wait3A_128 = arith.constant 0 : i32
          %dma_wait3A_129 = tpu.memref_slice %arg9[%dma_wait3A_127, %dma_wait3A_128] : memref<256x128xf32, #tpu.memory_space<vmem>> -> memref<128x128xf32, #tpu.memory_space<vmem>>
          %dma_wait3A_130 = arith.constant 0 : i32
          %dma_wait3A_131 = arith.constant 0 : i32
          %dma_wait3A_132 = tpu.memref_slice %arg5[%dma_wait3A_130, %dma_wait3A_131] : memref<10112x128xf32, #tpu.memory_space<hbm>> -> memref<128x128xf32, #tpu.memory_space<hbm>>
          tpu.wait_dma2 semaphore(%arg14 : memref<!tpu.dma_semaphore, #tpu.memory_space<semaphore_mem>>) src(%dma_wait3A_132 : memref<128x128xf32, #tpu.memory_space<hbm>>) dst(%dma_wait3A_129 : memref<128x128xf32, #tpu.memory_space<vmem>>)
        } else {
        }
        %add3A_102 = arith.addi %add3A, %add3A_82 : i32
        %dma_start3A = arith.constant 1 : i32
        %dma_start3A_103 = arith.constant 0 : i32
        %dma_start3A_104 = tpu.memref_slice %arg8[%dma_start3A, %dma_start3A_103] : memref<2x128xi32, #tpu.memory_space<vmem>> -> memref<1x128xi32, #tpu.memory_space<vmem>>
        %dma_start3A_105 = arith.constant 0 : i32
        %dma_start3A_106 = tpu.memref_slice %arg4[%add3A_102, %dma_start3A_105] : memref<2528x128xi32, #tpu.memory_space<hbm>> -> memref<1x128xi32, #tpu.memory_space<hbm>>
        %dma_start3A_107 = arith.constant 1 : i32
        %dma_start3A_108 = arith.constant 0 : i32
        %dma_start3A_109 = tpu.memref_slice %arg8[%dma_start3A_107, %dma_start3A_108] : memref<2x128xi32, #tpu.memory_space<vmem>> -> memref<1x128xi32, #tpu.memory_space<vmem>>
        %dma_start3A_110 = arith.constant 0 : i32
        %dma_start3A_111 = tpu.memref_slice %arg4[%add3A_102, %dma_start3A_110] : memref<2528x128xi32, #tpu.memory_space<hbm>> -> memref<1x128xi32, #tpu.memory_space<hbm>>
        tpu.enqueue_dma source(%dma_start3A_111 : memref<1x128xi32, #tpu.memory_space<hbm>>) target(%dma_start3A_109 : memref<1x128xi32, #tpu.memory_space<vmem>>) target_semaphore(%arg12 : memref<!tpu.dma_semaphore, #tpu.memory_space<semaphore_mem>>)
        %mul3A_112 = arith.constant 128 : i32
        %mul3A_113 = arith.muli %add3A_82, %mul3A_112 : i32
        %dma_start3A_114 = arith.constant 128 : i32
        %dma_start3A_115 = arith.constant 0 : i32
        %dma_start3A_116 = tpu.memref_slice %arg9[%dma_start3A_114, %dma_start3A_115] : memref<256x128xf32, #tpu.memory_space<vmem>> -> memref<128x128xf32, #tpu.memory_space<vmem>>
        %dma_start3A_117 = tpu.memref_slice %arg7[%mul3A_113] : memref<16896xi32, #tpu.memory_space<vmem>> -> memref<128xi32, #tpu.memory_space<vmem>>
        %dma_start3A_118 = arith.constant 0 : i32
        %dma_start3A_119 = arith.constant 0 : i32
        %dma_start3A_120 = tpu.memref_slice %arg2[%dma_start3A_118, %dma_start3A_119] : memref<10000x128xf32, #tpu.memory_space<hbm>> -> memref<10000x128xf32, #tpu.memory_space<hbm>>
        tpu.enqueue_indirect_dma source(%dma_start3A_120 : memref<10000x128xf32, #tpu.memory_space<hbm>>) target(%dma_start3A_116 : memref<128x128xf32, #tpu.memory_space<vmem>>) offsets(%dma_start3A_117 : memref<128xi32, #tpu.memory_space<vmem>>) semaphore(%arg12 : memref<!tpu.dma_semaphore, #tpu.memory_space<semaphore_mem>>)
      } else {
      }
      %sub3A_87 = arith.constant 1 : i32
      %sub3A_88 = arith.subi %add3A_82, %sub3A_87 : i32
      %ge3A_89 = arith.constant 0 : i32
      %ge3A_90 = arith.cmpi sge, %sub3A_88, %ge3A_89 : i32
      %lt3A_91 = arith.cmpi slt, %sub3A_88, %select_n3A : i32
      %and3A_92 = arith.andi %ge3A_90, %lt3A_91 : i1
      %convert_element_type3A_93 = arith.extui %and3A_92 : i1 to i32
      %cond3A_94 = arith.constant 0 : i32
      %cond3A_95 = arith.cmpi ne, %convert_element_type3A_93, %cond3A_94 : i32
      scf.if %cond3A_95 {
        %dma_wait3A_97 = arith.constant 0 : i32
        %dma_wait3A_98 = arith.constant 0 : i32
        %dma_wait3A_99 = tpu.memref_slice %arg9[%dma_wait3A_97, %dma_wait3A_98] : memref<256x128xf32, #tpu.memory_space<vmem>> -> memref<128x128xf32, #tpu.memory_space<vmem>>
        %dma_wait3A_100 = arith.constant 0 : i32
        %dma_wait3A_101 = arith.constant 0 : i32
        %dma_wait3A_102 = tpu.memref_slice %arg5[%dma_wait3A_100, %dma_wait3A_101] : memref<10112x128xf32, #tpu.memory_space<hbm>> -> memref<128x128xf32, #tpu.memory_space<hbm>>
        %dma_wait3A_103 = arith.constant 0 : i32
        %dma_wait3A_104 = arith.constant 0 : i32
        %dma_wait3A_105 = tpu.memref_slice %arg9[%dma_wait3A_103, %dma_wait3A_104] : memref<256x128xf32, #tpu.memory_space<vmem>> -> memref<128x128xf32, #tpu.memory_space<vmem>>
        %dma_wait3A_106 = arith.constant 0 : i32
        %dma_wait3A_107 = arith.constant 0 : i32
        %dma_wait3A_108 = tpu.memref_slice %arg5[%dma_wait3A_106, %dma_wait3A_107] : memref<10112x128xf32, #tpu.memory_space<hbm>> -> memref<128x128xf32, #tpu.memory_space<hbm>>
        tpu.wait_dma2 semaphore(%arg11 : memref<!tpu.dma_semaphore, #tpu.memory_space<semaphore_mem>>) src(%dma_wait3A_108 : memref<128x128xf32, #tpu.memory_space<hbm>>) dst(%dma_wait3A_105 : memref<128x128xf32, #tpu.memory_space<vmem>>)
        %dma_wait3A_109 = arith.constant 0 : i32
        %dma_wait3A_110 = arith.constant 0 : i32
        %dma_wait3A_111 = tpu.memref_slice %arg8[%dma_wait3A_109, %dma_wait3A_110] : memref<2x128xi32, #tpu.memory_space<vmem>> -> memref<1x128xi32, #tpu.memory_space<vmem>>
        %dma_wait3A_112 = arith.constant 0 : i32
        %dma_wait3A_113 = arith.constant 0 : i32
        %dma_wait3A_114 = tpu.memref_slice %arg4[%dma_wait3A_112, %dma_wait3A_113] : memref<2528x128xi32, #tpu.memory_space<hbm>> -> memref<1x128xi32, #tpu.memory_space<hbm>>
        %dma_wait3A_115 = arith.constant 0 : i32
        %dma_wait3A_116 = arith.constant 0 : i32
        %dma_wait3A_117 = tpu.memref_slice %arg8[%dma_wait3A_115, %dma_wait3A_116] : memref<2x128xi32, #tpu.memory_space<vmem>> -> memref<1x128xi32, #tpu.memory_space<vmem>>
        %dma_wait3A_118 = arith.constant 0 : i32
        %dma_wait3A_119 = arith.constant 0 : i32
        %dma_wait3A_120 = tpu.memref_slice %arg4[%dma_wait3A_118, %dma_wait3A_119] : memref<2528x128xi32, #tpu.memory_space<hbm>> -> memref<1x128xi32, #tpu.memory_space<hbm>>
        tpu.wait_dma2 semaphore(%arg11 : memref<!tpu.dma_semaphore, #tpu.memory_space<semaphore_mem>>) src(%dma_wait3A_120 : memref<1x128xi32, #tpu.memory_space<hbm>>) dst(%dma_wait3A_117 : memref<1x128xi32, #tpu.memory_space<vmem>>)
        %dma_start3A = arith.constant 0 : i32
        %dma_start3A_121 = arith.constant 0 : i32
        %dma_start3A_122 = arith.constant 0 : i32
        %dma_start3A_123 = tpu.memref_slice %arg9[%dma_start3A_121, %dma_start3A_122] : memref<256x128xf32, #tpu.memory_space<vmem>> -> memref<128x128xf32, #tpu.memory_space<vmem>>
        %dma_start3A_124 = arith.constant 0 : i32
        %dma_start3A_125 = tpu.memref_slice %arg8[%dma_start3A, %dma_start3A_124] : memref<2x128xi32, #tpu.memory_space<vmem>> -> memref<1x128xi32, #tpu.memory_space<vmem>>
        %dma_start3A_126 = tpu.memref_squeeze %dma_start3A_125 : memref<1x128xi32, #tpu.memory_space<vmem>> -> memref<128xi32, #tpu.memory_space<vmem>>
        %dma_start3A_127 = arith.constant 0 : i32
        %dma_start3A_128 = arith.constant 0 : i32
        %dma_start3A_129 = tpu.memref_slice %arg10[%dma_start3A_127, %dma_start3A_128] : memref<10112x128xf32, #tpu.memory_space<vmem_shared>> -> memref<10112x128xf32, #tpu.memory_space<vmem_shared>>
        tpu.enqueue_indirect_dma source(%dma_start3A_123 : memref<128x128xf32, #tpu.memory_space<vmem>>) target(%dma_start3A_129 : memref<10112x128xf32, #tpu.memory_space<vmem_shared>>) offsets(%dma_start3A_126 : memref<128xi32, #tpu.memory_space<vmem>>) semaphore(%arg13 : memref<!tpu.dma_semaphore, #tpu.memory_space<semaphore_mem>>) {add = true}
      } else {
      }
      %while3A_96 = arith.constant 0 : i32
      scf.yield %while3A_96 : i32
    }
    %while3A_38 = arith.constant 1 : i32
    %while3A_39 = scf.for %while3A_64 = %while3A_35 to %while3A_31 step %while3A_38 iter_args(%while3A_65 = %while3A_37) -> (i32)  : i32 {
      %mul3A_66 = arith.constant 2 : i32
      %mul3A_67 = arith.muli %while3A_64, %mul3A_66 : i32
      %add3A_68 = arith.constant 0 : i32
      %add3A_69 = arith.addi %mul3A_67, %add3A_68 : i32
      %lt3A = arith.cmpi slt, %add3A_69, %select_n3A : i32
      %convert_element_type3A = arith.extui %lt3A : i1 to i32
      %cond3A = arith.constant 0 : i32
      %cond3A_70 = arith.cmpi ne, %convert_element_type3A, %cond3A : i32
      scf.if %cond3A_70 {
        %ge3A_97 = arith.constant 2 : i32
        %ge3A_98 = arith.cmpi sge, %add3A_69, %ge3A_97 : i32
        %convert_element_type3A_99 = arith.extui %ge3A_98 : i1 to i32
        %cond3A_100 = arith.constant 0 : i32
        %cond3A_101 = arith.cmpi ne, %convert_element_type3A_99, %cond3A_100 : i32
        scf.if %cond3A_101 {
          %dma_wait3A_121 = arith.constant 0 : i32
          %dma_wait3A_122 = arith.constant 0 : i32
          %dma_wait3A_123 = tpu.memref_slice %arg9[%dma_wait3A_121, %dma_wait3A_122] : memref<256x128xf32, #tpu.memory_space<vmem>> -> memref<128x128xf32, #tpu.memory_space<vmem>>
          %dma_wait3A_124 = arith.constant 0 : i32
          %dma_wait3A_125 = arith.constant 0 : i32
          %dma_wait3A_126 = tpu.memref_slice %arg5[%dma_wait3A_124, %dma_wait3A_125] : memref<10112x128xf32, #tpu.memory_space<hbm>> -> memref<128x128xf32, #tpu.memory_space<hbm>>
          %dma_wait3A_127 = arith.constant 0 : i32
          %dma_wait3A_128 = arith.constant 0 : i32
          %dma_wait3A_129 = tpu.memref_slice %arg9[%dma_wait3A_127, %dma_wait3A_128] : memref<256x128xf32, #tpu.memory_space<vmem>> -> memref<128x128xf32, #tpu.memory_space<vmem>>
          %dma_wait3A_130 = arith.constant 0 : i32
          %dma_wait3A_131 = arith.constant 0 : i32
          %dma_wait3A_132 = tpu.memref_slice %arg5[%dma_wait3A_130, %dma_wait3A_131] : memref<10112x128xf32, #tpu.memory_space<hbm>> -> memref<128x128xf32, #tpu.memory_space<hbm>>
          tpu.wait_dma2 semaphore(%arg13 : memref<!tpu.dma_semaphore, #tpu.memory_space<semaphore_mem>>) src(%dma_wait3A_132 : memref<128x128xf32, #tpu.memory_space<hbm>>) dst(%dma_wait3A_129 : memref<128x128xf32, #tpu.memory_space<vmem>>)
        } else {
        }
        %add3A_102 = arith.addi %add3A, %add3A_69 : i32
        %dma_start3A = arith.constant 0 : i32
        %dma_start3A_103 = arith.constant 0 : i32
        %dma_start3A_104 = tpu.memref_slice %arg8[%dma_start3A, %dma_start3A_103] : memref<2x128xi32, #tpu.memory_space<vmem>> -> memref<1x128xi32, #tpu.memory_space<vmem>>
        %dma_start3A_105 = arith.constant 0 : i32
        %dma_start3A_106 = tpu.memref_slice %arg4[%add3A_102, %dma_start3A_105] : memref<2528x128xi32, #tpu.memory_space<hbm>> -> memref<1x128xi32, #tpu.memory_space<hbm>>
        %dma_start3A_107 = arith.constant 0 : i32
        %dma_start3A_108 = arith.constant 0 : i32
        %dma_start3A_109 = tpu.memref_slice %arg8[%dma_start3A_107, %dma_start3A_108] : memref<2x128xi32, #tpu.memory_space<vmem>> -> memref<1x128xi32, #tpu.memory_space<vmem>>
        %dma_start3A_110 = arith.constant 0 : i32
        %dma_start3A_111 = tpu.memref_slice %arg4[%add3A_102, %dma_start3A_110] : memref<2528x128xi32, #tpu.memory_space<hbm>> -> memref<1x128xi32, #tpu.memory_space<hbm>>
        tpu.enqueue_dma source(%dma_start3A_111 : memref<1x128xi32, #tpu.memory_space<hbm>>) target(%dma_start3A_109 : memref<1x128xi32, #tpu.memory_space<vmem>>) target_semaphore(%arg11 : memref<!tpu.dma_semaphore, #tpu.memory_space<semaphore_mem>>)
        %mul3A_112 = arith.constant 128 : i32
        %mul3A_113 = arith.muli %add3A_69, %mul3A_112 : i32
        %dma_start3A_114 = arith.constant 0 : i32
        %dma_start3A_115 = arith.constant 0 : i32
        %dma_start3A_116 = tpu.memref_slice %arg9[%dma_start3A_114, %dma_start3A_115] : memref<256x128xf32, #tpu.memory_space<vmem>> -> memref<128x128xf32, #tpu.memory_space<vmem>>
        %dma_start3A_117 = tpu.memref_slice %arg7[%mul3A_113] : memref<16896xi32, #tpu.memory_space<vmem>> -> memref<128xi32, #tpu.memory_space<vmem>>
        %dma_start3A_118 = arith.constant 0 : i32
        %dma_start3A_119 = arith.constant 0 : i32
        %dma_start3A_120 = tpu.memref_slice %arg2[%dma_start3A_118, %dma_start3A_119] : memref<10000x128xf32, #tpu.memory_space<hbm>> -> memref<10000x128xf32, #tpu.memory_space<hbm>>
        tpu.enqueue_indirect_dma source(%dma_start3A_120 : memref<10000x128xf32, #tpu.memory_space<hbm>>) target(%dma_start3A_116 : memref<128x128xf32, #tpu.memory_space<vmem>>) offsets(%dma_start3A_117 : memref<128xi32, #tpu.memory_space<vmem>>) semaphore(%arg11 : memref<!tpu.dma_semaphore, #tpu.memory_space<semaphore_mem>>)
      } else {
      }
      %sub3A_71 = arith.constant 1 : i32
      %sub3A_72 = arith.subi %add3A_69, %sub3A_71 : i32
      %ge3A = arith.constant 0 : i32
      %ge3A_73 = arith.cmpi sge, %sub3A_72, %ge3A : i32
      %lt3A_74 = arith.cmpi slt, %sub3A_72, %select_n3A : i32
      %and3A_75 = arith.andi %ge3A_73, %lt3A_74 : i1
      %convert_element_type3A_76 = arith.extui %and3A_75 : i1 to i32
      %cond3A_77 = arith.constant 0 : i32
      %cond3A_78 = arith.cmpi ne, %convert_element_type3A_76, %cond3A_77 : i32
      scf.if %cond3A_78 {
        %dma_wait3A_97 = arith.constant 128 : i32
        %dma_wait3A_98 = arith.constant 0 : i32
        %dma_wait3A_99 = tpu.memref_slice %arg9[%dma_wait3A_97, %dma_wait3A_98] : memref<256x128xf32, #tpu.memory_space<vmem>> -> memref<128x128xf32, #tpu.memory_space<vmem>>
        %dma_wait3A_100 = arith.constant 0 : i32
        %dma_wait3A_101 = arith.constant 0 : i32
        %dma_wait3A_102 = tpu.memref_slice %arg5[%dma_wait3A_100, %dma_wait3A_101] : memref<10112x128xf32, #tpu.memory_space<hbm>> -> memref<128x128xf32, #tpu.memory_space<hbm>>
        %dma_wait3A_103 = arith.constant 128 : i32
        %dma_wait3A_104 = arith.constant 0 : i32
        %dma_wait3A_105 = tpu.memref_slice %arg9[%dma_wait3A_103, %dma_wait3A_104] : memref<256x128xf32, #tpu.memory_space<vmem>> -> memref<128x128xf32, #tpu.memory_space<vmem>>
        %dma_wait3A_106 = arith.constant 0 : i32
        %dma_wait3A_107 = arith.constant 0 : i32
        %dma_wait3A_108 = tpu.memref_slice %arg5[%dma_wait3A_106, %dma_wait3A_107] : memref<10112x128xf32, #tpu.memory_space<hbm>> -> memref<128x128xf32, #tpu.memory_space<hbm>>
        tpu.wait_dma2 semaphore(%arg12 : memref<!tpu.dma_semaphore, #tpu.memory_space<semaphore_mem>>) src(%dma_wait3A_108 : memref<128x128xf32, #tpu.memory_space<hbm>>) dst(%dma_wait3A_105 : memref<128x128xf32, #tpu.memory_space<vmem>>)
        %dma_wait3A_109 = arith.constant 1 : i32
        %dma_wait3A_110 = arith.constant 0 : i32
        %dma_wait3A_111 = tpu.memref_slice %arg8[%dma_wait3A_109, %dma_wait3A_110] : memref<2x128xi32, #tpu.memory_space<vmem>> -> memref<1x128xi32, #tpu.memory_space<vmem>>
        %dma_wait3A_112 = arith.constant 0 : i32
        %dma_wait3A_113 = arith.constant 0 : i32
        %dma_wait3A_114 = tpu.memref_slice %arg4[%dma_wait3A_112, %dma_wait3A_113] : memref<2528x128xi32, #tpu.memory_space<hbm>> -> memref<1x128xi32, #tpu.memory_space<hbm>>
        %dma_wait3A_115 = arith.constant 1 : i32
        %dma_wait3A_116 = arith.constant 0 : i32
        %dma_wait3A_117 = tpu.memref_slice %arg8[%dma_wait3A_115, %dma_wait3A_116] : memref<2x128xi32, #tpu.memory_space<vmem>> -> memref<1x128xi32, #tpu.memory_space<vmem>>
        %dma_wait3A_118 = arith.constant 0 : i32
        %dma_wait3A_119 = arith.constant 0 : i32
        %dma_wait3A_120 = tpu.memref_slice %arg4[%dma_wait3A_118, %dma_wait3A_119] : memref<2528x128xi32, #tpu.memory_space<hbm>> -> memref<1x128xi32, #tpu.memory_space<hbm>>
        tpu.wait_dma2 semaphore(%arg12 : memref<!tpu.dma_semaphore, #tpu.memory_space<semaphore_mem>>) src(%dma_wait3A_120 : memref<1x128xi32, #tpu.memory_space<hbm>>) dst(%dma_wait3A_117 : memref<1x128xi32, #tpu.memory_space<vmem>>)
        %dma_start3A = arith.constant 1 : i32
        %dma_start3A_121 = arith.constant 128 : i32
        %dma_start3A_122 = arith.constant 0 : i32
        %dma_start3A_123 = tpu.memref_slice %arg9[%dma_start3A_121, %dma_start3A_122] : memref<256x128xf32, #tpu.memory_space<vmem>> -> memref<128x128xf32, #tpu.memory_space<vmem>>
        %dma_start3A_124 = arith.constant 0 : i32
        %dma_start3A_125 = tpu.memref_slice %arg8[%dma_start3A, %dma_start3A_124] : memref<2x128xi32, #tpu.memory_space<vmem>> -> memref<1x128xi32, #tpu.memory_space<vmem>>
        %dma_start3A_126 = tpu.memref_squeeze %dma_start3A_125 : memref<1x128xi32, #tpu.memory_space<vmem>> -> memref<128xi32, #tpu.memory_space<vmem>>
        %dma_start3A_127 = arith.constant 0 : i32
        %dma_start3A_128 = arith.constant 0 : i32
        %dma_start3A_129 = tpu.memref_slice %arg10[%dma_start3A_127, %dma_start3A_128] : memref<10112x128xf32, #tpu.memory_space<vmem_shared>> -> memref<10112x128xf32, #tpu.memory_space<vmem_shared>>
        tpu.enqueue_indirect_dma source(%dma_start3A_123 : memref<128x128xf32, #tpu.memory_space<vmem>>) target(%dma_start3A_129 : memref<10112x128xf32, #tpu.memory_space<vmem_shared>>) offsets(%dma_start3A_126 : memref<128xi32, #tpu.memory_space<vmem>>) semaphore(%arg14 : memref<!tpu.dma_semaphore, #tpu.memory_space<semaphore_mem>>) {add = true}
      } else {
      }
      %mul3A_79 = arith.constant 2 : i32
      %mul3A_80 = arith.muli %while3A_64, %mul3A_79 : i32
      %add3A_81 = arith.constant 1 : i32
      %add3A_82 = arith.addi %mul3A_80, %add3A_81 : i32
      %lt3A_83 = arith.cmpi slt, %add3A_82, %select_n3A : i32
      %convert_element_type3A_84 = arith.extui %lt3A_83 : i1 to i32
      %cond3A_85 = arith.constant 0 : i32
      %cond3A_86 = arith.cmpi ne, %convert_element_type3A_84, %cond3A_85 : i32
      scf.if %cond3A_86 {
        %ge3A_97 = arith.constant 2 : i32
        %ge3A_98 = arith.cmpi sge, %add3A_82, %ge3A_97 : i32
        %convert_element_type3A_99 = arith.extui %ge3A_98 : i1 to i32
        %cond3A_100 = arith.constant 0 : i32
        %cond3A_101 = arith.cmpi ne, %convert_element_type3A_99, %cond3A_100 : i32
        scf.if %cond3A_101 {
          %dma_wait3A_121 = arith.constant 128 : i32
          %dma_wait3A_122 = arith.constant 0 : i32
          %dma_wait3A_123 = tpu.memref_slice %arg9[%dma_wait3A_121, %dma_wait3A_122] : memref<256x128xf32, #tpu.memory_space<vmem>> -> memref<128x128xf32, #tpu.memory_space<vmem>>
          %dma_wait3A_124 = arith.constant 0 : i32
          %dma_wait3A_125 = arith.constant 0 : i32
          %dma_wait3A_126 = tpu.memref_slice %arg5[%dma_wait3A_124, %dma_wait3A_125] : memref<10112x128xf32, #tpu.memory_space<hbm>> -> memref<128x128xf32, #tpu.memory_space<hbm>>
          %dma_wait3A_127 = arith.constant 128 : i32
          %dma_wait3A_128 = arith.constant 0 : i32
          %dma_wait3A_129 = tpu.memref_slice %arg9[%dma_wait3A_127, %dma_wait3A_128] : memref<256x128xf32, #tpu.memory_space<vmem>> -> memref<128x128xf32, #tpu.memory_space<vmem>>
          %dma_wait3A_130 = arith.constant 0 : i32
          %dma_wait3A_131 = arith.constant 0 : i32
          %dma_wait3A_132 = tpu.memref_slice %arg5[%dma_wait3A_130, %dma_wait3A_131] : memref<10112x128xf32, #tpu.memory_space<hbm>> -> memref<128x128xf32, #tpu.memory_space<hbm>>
          tpu.wait_dma2 semaphore(%arg14 : memref<!tpu.dma_semaphore, #tpu.memory_space<semaphore_mem>>) src(%dma_wait3A_132 : memref<128x128xf32, #tpu.memory_space<hbm>>) dst(%dma_wait3A_129 : memref<128x128xf32, #tpu.memory_space<vmem>>)
        } else {
        }
        %add3A_102 = arith.addi %add3A, %add3A_82 : i32
        %dma_start3A = arith.constant 1 : i32
        %dma_start3A_103 = arith.constant 0 : i32
        %dma_start3A_104 = tpu.memref_slice %arg8[%dma_start3A, %dma_start3A_103] : memref<2x128xi32, #tpu.memory_space<vmem>> -> memref<1x128xi32, #tpu.memory_space<vmem>>
        %dma_start3A_105 = arith.constant 0 : i32
        %dma_start3A_106 = tpu.memref_slice %arg4[%add3A_102, %dma_start3A_105] : memref<2528x128xi32, #tpu.memory_space<hbm>> -> memref<1x128xi32, #tpu.memory_space<hbm>>
        %dma_start3A_107 = arith.constant 1 : i32
        %dma_start3A_108 = arith.constant 0 : i32
        %dma_start3A_109 = tpu.memref_slice %arg8[%dma_start3A_107, %dma_start3A_108] : memref<2x128xi32, #tpu.memory_space<vmem>> -> memref<1x128xi32, #tpu.memory_space<vmem>>
        %dma_start3A_110 = arith.constant 0 : i32
        %dma_start3A_111 = tpu.memref_slice %arg4[%add3A_102, %dma_start3A_110] : memref<2528x128xi32, #tpu.memory_space<hbm>> -> memref<1x128xi32, #tpu.memory_space<hbm>>
        tpu.enqueue_dma source(%dma_start3A_111 : memref<1x128xi32, #tpu.memory_space<hbm>>) target(%dma_start3A_109 : memref<1x128xi32, #tpu.memory_space<vmem>>) target_semaphore(%arg12 : memref<!tpu.dma_semaphore, #tpu.memory_space<semaphore_mem>>)
        %mul3A_112 = arith.constant 128 : i32
        %mul3A_113 = arith.muli %add3A_82, %mul3A_112 : i32
        %dma_start3A_114 = arith.constant 128 : i32
        %dma_start3A_115 = arith.constant 0 : i32
        %dma_start3A_116 = tpu.memref_slice %arg9[%dma_start3A_114, %dma_start3A_115] : memref<256x128xf32, #tpu.memory_space<vmem>> -> memref<128x128xf32, #tpu.memory_space<vmem>>
        %dma_start3A_117 = tpu.memref_slice %arg7[%mul3A_113] : memref<16896xi32, #tpu.memory_space<vmem>> -> memref<128xi32, #tpu.memory_space<vmem>>
        %dma_start3A_118 = arith.constant 0 : i32
        %dma_start3A_119 = arith.constant 0 : i32
        %dma_start3A_120 = tpu.memref_slice %arg2[%dma_start3A_118, %dma_start3A_119] : memref<10000x128xf32, #tpu.memory_space<hbm>> -> memref<10000x128xf32, #tpu.memory_space<hbm>>
        tpu.enqueue_indirect_dma source(%dma_start3A_120 : memref<10000x128xf32, #tpu.memory_space<hbm>>) target(%dma_start3A_116 : memref<128x128xf32, #tpu.memory_space<vmem>>) offsets(%dma_start3A_117 : memref<128xi32, #tpu.memory_space<vmem>>) semaphore(%arg12 : memref<!tpu.dma_semaphore, #tpu.memory_space<semaphore_mem>>)
      } else {
      }
      %sub3A_87 = arith.constant 1 : i32
      %sub3A_88 = arith.subi %add3A_82, %sub3A_87 : i32
      %ge3A_89 = arith.constant 0 : i32
      %ge3A_90 = arith.cmpi sge, %sub3A_88, %ge3A_89 : i32
      %lt3A_91 = arith.cmpi slt, %sub3A_88, %select_n3A : i32
      %and3A_92 = arith.andi %ge3A_90, %lt3A_91 : i1
      %convert_element_type3A_93 = arith.extui %and3A_92 : i1 to i32
      %cond3A_94 = arith.constant 0 : i32
      %cond3A_95 = arith.cmpi ne, %convert_element_type3A_93, %cond3A_94 : i32
      scf.if %cond3A_95 {
        %dma_wait3A_97 = arith.constant 0 : i32
        %dma_wait3A_98 = arith.constant 0 : i32
        %dma_wait3A_99 = tpu.memref_slice %arg9[%dma_wait3A_97, %dma_wait3A_98] : memref<256x128xf32, #tpu.memory_space<vmem>> -> memref<128x128xf32, #tpu.memory_space<vmem>>
        %dma_wait3A_100 = arith.constant 0 : i32
        %dma_wait3A_101 = arith.constant 0 : i32
        %dma_wait3A_102 = tpu.memref_slice %arg5[%dma_wait3A_100, %dma_wait3A_101] : memref<10112x128xf32, #tpu.memory_space<hbm>> -> memref<128x128xf32, #tpu.memory_space<hbm>>
        %dma_wait3A_103 = arith.constant 0 : i32
        %dma_wait3A_104 = arith.constant 0 : i32
        %dma_wait3A_105 = tpu.memref_slice %arg9[%dma_wait3A_103, %dma_wait3A_104] : memref<256x128xf32, #tpu.memory_space<vmem>> -> memref<128x128xf32, #tpu.memory_space<vmem>>
        %dma_wait3A_106 = arith.constant 0 : i32
        %dma_wait3A_107 = arith.constant 0 : i32
        %dma_wait3A_108 = tpu.memref_slice %arg5[%dma_wait3A_106, %dma_wait3A_107] : memref<10112x128xf32, #tpu.memory_space<hbm>> -> memref<128x128xf32, #tpu.memory_space<hbm>>
        tpu.wait_dma2 semaphore(%arg11 : memref<!tpu.dma_semaphore, #tpu.memory_space<semaphore_mem>>) src(%dma_wait3A_108 : memref<128x128xf32, #tpu.memory_space<hbm>>) dst(%dma_wait3A_105 : memref<128x128xf32, #tpu.memory_space<vmem>>)
        %dma_wait3A_109 = arith.constant 0 : i32
        %dma_wait3A_110 = arith.constant 0 : i32
        %dma_wait3A_111 = tpu.memref_slice %arg8[%dma_wait3A_109, %dma_wait3A_110] : memref<2x128xi32, #tpu.memory_space<vmem>> -> memref<1x128xi32, #tpu.memory_space<vmem>>
        %dma_wait3A_112 = arith.constant 0 : i32
        %dma_wait3A_113 = arith.constant 0 : i32
        %dma_wait3A_114 = tpu.memref_slice %arg4[%dma_wait3A_112, %dma_wait3A_113] : memref<2528x128xi32, #tpu.memory_space<hbm>> -> memref<1x128xi32, #tpu.memory_space<hbm>>
        %dma_wait3A_115 = arith.constant 0 : i32
        %dma_wait3A_116 = arith.constant 0 : i32
        %dma_wait3A_117 = tpu.memref_slice %arg8[%dma_wait3A_115, %dma_wait3A_116] : memref<2x128xi32, #tpu.memory_space<vmem>> -> memref<1x128xi32, #tpu.memory_space<vmem>>
        %dma_wait3A_118 = arith.constant 0 : i32
        %dma_wait3A_119 = arith.constant 0 : i32
        %dma_wait3A_120 = tpu.memref_slice %arg4[%dma_wait3A_118, %dma_wait3A_119] : memref<2528x128xi32, #tpu.memory_space<hbm>> -> memref<1x128xi32, #tpu.memory_space<hbm>>
        tpu.wait_dma2 semaphore(%arg11 : memref<!tpu.dma_semaphore, #tpu.memory_space<semaphore_mem>>) src(%dma_wait3A_120 : memref<1x128xi32, #tpu.memory_space<hbm>>) dst(%dma_wait3A_117 : memref<1x128xi32, #tpu.memory_space<vmem>>)
        %dma_start3A = arith.constant 0 : i32
        %dma_start3A_121 = arith.constant 0 : i32
        %dma_start3A_122 = arith.constant 0 : i32
        %dma_start3A_123 = tpu.memref_slice %arg9[%dma_start3A_121, %dma_start3A_122] : memref<256x128xf32, #tpu.memory_space<vmem>> -> memref<128x128xf32, #tpu.memory_space<vmem>>
        %dma_start3A_124 = arith.constant 0 : i32
        %dma_start3A_125 = tpu.memref_slice %arg8[%dma_start3A, %dma_start3A_124] : memref<2x128xi32, #tpu.memory_space<vmem>> -> memref<1x128xi32, #tpu.memory_space<vmem>>
        %dma_start3A_126 = tpu.memref_squeeze %dma_start3A_125 : memref<1x128xi32, #tpu.memory_space<vmem>> -> memref<128xi32, #tpu.memory_space<vmem>>
        %dma_start3A_127 = arith.constant 0 : i32
        %dma_start3A_128 = arith.constant 0 : i32
        %dma_start3A_129 = tpu.memref_slice %arg10[%dma_start3A_127, %dma_start3A_128] : memref<10112x128xf32, #tpu.memory_space<vmem_shared>> -> memref<10112x128xf32, #tpu.memory_space<vmem_shared>>
        tpu.enqueue_indirect_dma source(%dma_start3A_123 : memref<128x128xf32, #tpu.memory_space<vmem>>) target(%dma_start3A_129 : memref<10112x128xf32, #tpu.memory_space<vmem_shared>>) offsets(%dma_start3A_126 : memref<128xi32, #tpu.memory_space<vmem>>) semaphore(%arg13 : memref<!tpu.dma_semaphore, #tpu.memory_space<semaphore_mem>>) {add = true}
      } else {
      }
      %while3A_96 = arith.constant 0 : i32
      scf.yield %while3A_96 : i32
    }
    %dma_wait3A = arith.constant 0 : i32
    %dma_wait3A_40 = arith.constant 0 : i32
    %dma_wait3A_41 = tpu.memref_slice %arg9[%dma_wait3A, %dma_wait3A_40] : memref<256x128xf32, #tpu.memory_space<vmem>> -> memref<128x128xf32, #tpu.memory_space<vmem>>
    %dma_wait3A_42 = arith.constant 0 : i32
    %dma_wait3A_43 = arith.constant 0 : i32
    %dma_wait3A_44 = tpu.memref_slice %arg5[%dma_wait3A_42, %dma_wait3A_43] : memref<10112x128xf32, #tpu.memory_space<hbm>> -> memref<128x128xf32, #tpu.memory_space<hbm>>
    %dma_wait3A_45 = arith.constant 0 : i32
    %dma_wait3A_46 = arith.constant 0 : i32
    %dma_wait3A_47 = tpu.memref_slice %arg9[%dma_wait3A_45, %dma_wait3A_46] : memref<256x128xf32, #tpu.memory_space<vmem>> -> memref<128x128xf32, #tpu.memory_space<vmem>>
    %dma_wait3A_48 = arith.constant 0 : i32
    %dma_wait3A_49 = arith.constant 0 : i32
    %dma_wait3A_50 = tpu.memref_slice %arg5[%dma_wait3A_48, %dma_wait3A_49] : memref<10112x128xf32, #tpu.memory_space<hbm>> -> memref<128x128xf32, #tpu.memory_space<hbm>>
    tpu.wait_dma2 semaphore(%arg13 : memref<!tpu.dma_semaphore, #tpu.memory_space<semaphore_mem>>) src(%dma_wait3A_50 : memref<128x128xf32, #tpu.memory_space<hbm>>) dst(%dma_wait3A_47 : memref<128x128xf32, #tpu.memory_space<vmem>>)
    %dma_wait3A_51 = arith.constant 128 : i32
    %dma_wait3A_52 = arith.constant 0 : i32
    %dma_wait3A_53 = tpu.memref_slice %arg9[%dma_wait3A_51, %dma_wait3A_52] : memref<256x128xf32, #tpu.memory_space<vmem>> -> memref<128x128xf32, #tpu.memory_space<vmem>>
    %dma_wait3A_54 = arith.constant 0 : i32
    %dma_wait3A_55 = arith.constant 0 : i32
    %dma_wait3A_56 = tpu.memref_slice %arg5[%dma_wait3A_54, %dma_wait3A_55] : memref<10112x128xf32, #tpu.memory_space<hbm>> -> memref<128x128xf32, #tpu.memory_space<hbm>>
    %dma_wait3A_57 = arith.constant 128 : i32
    %dma_wait3A_58 = arith.constant 0 : i32
    %dma_wait3A_59 = tpu.memref_slice %arg9[%dma_wait3A_57, %dma_wait3A_58] : memref<256x128xf32, #tpu.memory_space<vmem>> -> memref<128x128xf32, #tpu.memory_space<vmem>>
    %dma_wait3A_60 = arith.constant 0 : i32
    %dma_wait3A_61 = arith.constant 0 : i32
    %dma_wait3A_62 = tpu.memref_slice %arg5[%dma_wait3A_60, %dma_wait3A_61] : memref<10112x128xf32, #tpu.memory_space<hbm>> -> memref<128x128xf32, #tpu.memory_space<hbm>>
    tpu.wait_dma2 semaphore(%arg14 : memref<!tpu.dma_semaphore, #tpu.memory_space<semaphore_mem>>) src(%dma_wait3A_62 : memref<128x128xf32, #tpu.memory_space<hbm>>) dst(%dma_wait3A_59 : memref<128x128xf32, #tpu.memory_space<vmem>>)
    %barrier3A_63 = arith.constant 0 : index
    tpu.barrier barrier_id(%barrier3A_63)
    "tpu.region"() ({
      %run_scoped3A = tpu.sem_alloc : memref<!tpu.dma_semaphore, #tpu.memory_space<semaphore_mem>>
      %dma_start3A = arith.constant 0 : i32
      %dma_start3A_64 = tpu.memref_slice %arg6[%arg0, %mul3A_0, %dma_start3A] : memref<2x10112x128xf32, #tpu.memory_space<hbm>> -> memref<1x632x128xf32, #tpu.memory_space<hbm>>
      %dma_start3A_65 = tpu.memref_squeeze %dma_start3A_64 : memref<1x632x128xf32, #tpu.memory_space<hbm>> -> memref<632x128xf32, #tpu.memory_space<hbm>>
      %dma_start3A_66 = arith.constant 0 : i32
      %dma_start3A_67 = tpu.memref_slice %arg10[%mul3A_0, %dma_start3A_66] : memref<10112x128xf32, #tpu.memory_space<vmem_shared>> -> memref<632x128xf32, #tpu.memory_space<vmem_shared>>
      tpu.enqueue_dma source(%dma_start3A_67 : memref<632x128xf32, #tpu.memory_space<vmem_shared>>) target(%dma_start3A_65 : memref<632x128xf32, #tpu.memory_space<hbm>>) target_semaphore(%run_scoped3A : memref<!tpu.dma_semaphore, #tpu.memory_space<semaphore_mem>>)
      %dma_wait3A_68 = arith.constant 0 : i32
      %dma_wait3A_69 = tpu.memref_slice %arg6[%arg0, %mul3A_0, %dma_wait3A_68] : memref<2x10112x128xf32, #tpu.memory_space<hbm>> -> memref<1x632x128xf32, #tpu.memory_space<hbm>>
      %dma_wait3A_70 = tpu.memref_squeeze %dma_wait3A_69 : memref<1x632x128xf32, #tpu.memory_space<hbm>> -> memref<632x128xf32, #tpu.memory_space<hbm>>
      %dma_wait3A_71 = arith.constant 0 : i32
      %dma_wait3A_72 = tpu.memref_slice %arg10[%mul3A_0, %dma_wait3A_71] : memref<10112x128xf32, #tpu.memory_space<vmem_shared>> -> memref<632x128xf32, #tpu.memory_space<vmem_shared>>
      tpu.wait_dma2 semaphore(%run_scoped3A : memref<!tpu.dma_semaphore, #tpu.memory_space<semaphore_mem>>) src(%dma_wait3A_72 : memref<632x128xf32, #tpu.memory_space<vmem_shared>>) dst(%dma_wait3A_70 : memref<632x128xf32, #tpu.memory_space<hbm>>)
      tpu.yield
    }) : () -> ()
    return
  }
}

#map = affine_map<(d0, d1) -> (0)>
#map1 = affine_map<(d0, d1) -> (0, 0, 0)>
module attributes {stable_mosaic.version = 14 : i64} {
  func.func @_deg_body(%arg0: i32, %arg1: i32, %arg2: memref<323584xi32, #tpu.memory_space<hbm>>, %arg3: memref<32x79x128xf32, #tpu.memory_space<hbm>>, %arg4: memref<10112xi32, #tpu.memory_space<vmem>>, %arg5: memref<79x128xf32, #tpu.memory_space<vmem>>) attributes {dimension_semantics = [#tpu.dimension_semantics<core_parallel>, #tpu.dimension_semantics<subcore_parallel>], iteration_bounds = array<i64: 2, 16>, scalar_prefetch = 0 : i64, scratch_operands = 2 : i64, tpu.core_type = #tpu.core_type<sc_vector_subcore>, window_params = [{transform_indices = #map}, {transform_indices = #map1}]} {
    %mul3A = arith.constant 2 : i32
    %mul3A_0 = arith.muli %arg1, %mul3A : i32
    %add3A = arith.addi %mul3A_0, %arg0 : i32
    %scan3A = arith.constant 0 : i32
    %scan3A_1 = arith.constant 0 : i32
    %scan3A_2 = arith.constant 79 : i32
    %scan3A_3 = arith.addi %scan3A_1, %scan3A_2 : i32
    %scan3A_4 = arith.constant 1 : i32
    %scan3A_5 = scf.for %scan3A_23 = %scan3A_1 to %scan3A_3 step %scan3A_4 iter_args(%scan3A_24 = %scan3A) -> (i32)  : i32 {
      %scan3A_25 = arith.constant 0 : i32
      %scan3A_26 = arith.constant 0 : i32
      %scan3A_27 = arith.constant 8 : i32
      %scan3A_28 = arith.addi %scan3A_26, %scan3A_27 : i32
      %scan3A_29 = arith.constant 1 : i32
      %scan3A_30 = scf.for %scan3A_33 = %scan3A_26 to %scan3A_28 step %scan3A_29 iter_args(%scan3A_34 = %scan3A_25) -> (i32)  : i32 {
        %broadcast_in_dim3A_35 = arith.constant 0.000000e+00 : f32
        %broadcast_in_dim3A_36 = vector.broadcast %broadcast_in_dim3A_35 : f32 to vector<16xf32>
        %mul3A_37 = arith.constant 16 : i32
        %mul3A_38 = arith.muli %scan3A_33, %mul3A_37 : i32
        %swap3A = arith.index_cast %scan3A_23 : i32 to index
        %swap3A_39 = arith.index_cast %mul3A_38 : i32 to index
        %swap3A_40 = tpu.vector_load %arg5[%swap3A, %swap3A_39] {strides = array<i32>} : memref<79x128xf32, #tpu.memory_space<vmem>>, vector<16xf32>,
        tpu.vector_store %arg5[%swap3A, %swap3A_39], %broadcast_in_dim3A_36 {strides = array<i32>} : memref<79x128xf32, #tpu.memory_space<vmem>>, vector<16xf32>,
        %scan3A_41 = arith.constant 0 : i32
        scf.yield %scan3A_41 : i32
      }
      %scan3A_31 = arith.constant 8 : i32
      %scan3A_32 = arith.constant 0 : i32
      scf.yield %scan3A_32 : i32
    }
    %scan3A_6 = arith.constant 79 : i32
    %broadcast_in_dim3A = arith.constant 1.000000e+00 : f32
    %broadcast_in_dim3A_7 = vector.broadcast %broadcast_in_dim3A : f32 to vector<16xf32>
    %broadcast_in_dim3A_8 = arith.constant 7 : i32
    %broadcast_in_dim3A_9 = vector.broadcast %broadcast_in_dim3A_8 : i32 to vector<16xi32>
    %broadcast_in_dim3A_10 = arith.constant 127 : i32
    %broadcast_in_dim3A_11 = vector.broadcast %broadcast_in_dim3A_10 : i32 to vector<16xi32>
    %mul3A_12 = arith.constant 79 : i32
    %mul3A_13 = arith.muli %add3A, %mul3A_12 : i32
    %mul3A_14 = arith.constant 128 : i32
    %mul3A_15 = arith.muli %mul3A_13, %mul3A_14 : i32
    "tpu.region"() ({
      %run_scoped3A = tpu.sem_alloc : memref<!tpu.dma_semaphore, #tpu.memory_space<semaphore_mem>>
      %dma_start3A = tpu.memref_slice %arg2[%mul3A_15] : memref<323584xi32, #tpu.memory_space<hbm>> -> memref<10112xi32, #tpu.memory_space<hbm>>
      %dma_start3A_23 = tpu.memref_slice %arg2[%mul3A_15] : memref<323584xi32, #tpu.memory_space<hbm>> -> memref<10112xi32, #tpu.memory_space<hbm>>
      tpu.enqueue_dma source(%dma_start3A_23 : memref<10112xi32, #tpu.memory_space<hbm>>) target(%arg4 : memref<10112xi32, #tpu.memory_space<vmem>>) target_semaphore(%run_scoped3A : memref<!tpu.dma_semaphore, #tpu.memory_space<semaphore_mem>>)
      %dma_wait3A = tpu.memref_slice %arg2[%mul3A_15] : memref<323584xi32, #tpu.memory_space<hbm>> -> memref<10112xi32, #tpu.memory_space<hbm>>
      %dma_wait3A_24 = tpu.memref_slice %arg2[%mul3A_15] : memref<323584xi32, #tpu.memory_space<hbm>> -> memref<10112xi32, #tpu.memory_space<hbm>>
      tpu.wait_dma2 semaphore(%run_scoped3A : memref<!tpu.dma_semaphore, #tpu.memory_space<semaphore_mem>>) src(%dma_wait3A_24 : memref<10112xi32, #tpu.memory_space<hbm>>) dst(%arg4 : memref<10112xi32, #tpu.memory_space<vmem>>)
      tpu.yield
    }) : () -> ()
    %scan3A_16 = arith.constant 0 : i32
    %scan3A_17 = arith.constant 0 : i32
    %scan3A_18 = arith.constant 632 : i32
    %scan3A_19 = arith.addi %scan3A_17, %scan3A_18 : i32
    %scan3A_20 = arith.constant 1 : i32
    %scan3A_21 = scf.for %scan3A_23 = %scan3A_17 to %scan3A_19 step %scan3A_20 iter_args(%scan3A_24 = %scan3A_16) -> (i32)  : i32 {
      %mul3A_25 = arith.constant 16 : i32
      %mul3A_26 = arith.muli %scan3A_23, %mul3A_25 : i32
      %get3A = arith.index_cast %mul3A_26 : i32 to index
      %get3A_27 = tpu.vector_load %arg4[%get3A] {strides = array<i32>} : memref<10112xi32, #tpu.memory_space<vmem>>, vector<16xi32>,
      %shift_right_logical3A = arith.shrui %get3A_27, %broadcast_in_dim3A_9 : vector<16xi32>
      %and3A = arith.andi %get3A_27, %broadcast_in_dim3A_11 : vector<16xi32>
      tpu.vector_store_idx %arg5[%shift_right_logical3A, %and3A], %broadcast_in_dim3A_7 {add = true} : memref<79x128xf32, #tpu.memory_space<vmem>>[vector<16xi32>, vector<16xi32>], vector<16xf32>,
      %scan3A_28 = arith.constant 0 : i32
      scf.yield %scan3A_28 : i32
    }
    %scan3A_22 = arith.constant 632 : i32
    "tpu.region"() ({
      %run_scoped3A = tpu.sem_alloc : memref<!tpu.dma_semaphore, #tpu.memory_space<semaphore_mem>>
      %dma_start3A = arith.constant 0 : i32
      %dma_start3A_23 = arith.constant 0 : i32
      %dma_start3A_24 = tpu.memref_slice %arg3[%add3A, %dma_start3A, %dma_start3A_23] : memref<32x79x128xf32, #tpu.memory_space<hbm>> -> memref<1x79x128xf32, #tpu.memory_space<hbm>>
      %dma_start3A_25 = tpu.memref_squeeze %dma_start3A_24 : memref<1x79x128xf32, #tpu.memory_space<hbm>> -> memref<79x128xf32, #tpu.memory_space<hbm>>
      %dma_start3A_26 = arith.constant 0 : i32
      %dma_start3A_27 = arith.constant 0 : i32
      %dma_start3A_28 = tpu.memref_slice %arg3[%add3A, %dma_start3A_26, %dma_start3A_27] : memref<32x79x128xf32, #tpu.memory_space<hbm>> -> memref<1x79x128xf32, #tpu.memory_space<hbm>>
      %dma_start3A_29 = tpu.memref_squeeze %dma_start3A_28 : memref<1x79x128xf32, #tpu.memory_space<hbm>> -> memref<79x128xf32, #tpu.memory_space<hbm>>
      tpu.enqueue_dma source(%arg5 : memref<79x128xf32, #tpu.memory_space<vmem>>) target(%dma_start3A_29 : memref<79x128xf32, #tpu.memory_space<hbm>>) target_semaphore(%run_scoped3A : memref<!tpu.dma_semaphore, #tpu.memory_space<semaphore_mem>>)
      %dma_wait3A = arith.constant 0 : i32
      %dma_wait3A_30 = arith.constant 0 : i32
      %dma_wait3A_31 = tpu.memref_slice %arg3[%add3A, %dma_wait3A, %dma_wait3A_30] : memref<32x79x128xf32, #tpu.memory_space<hbm>> -> memref<1x79x128xf32, #tpu.memory_space<hbm>>
      %dma_wait3A_32 = tpu.memref_squeeze %dma_wait3A_31 : memref<1x79x128xf32, #tpu.memory_space<hbm>> -> memref<79x128xf32, #tpu.memory_space<hbm>>
      %dma_wait3A_33 = arith.constant 0 : i32
      %dma_wait3A_34 = arith.constant 0 : i32
      %dma_wait3A_35 = tpu.memref_slice %arg3[%add3A, %dma_wait3A_33, %dma_wait3A_34] : memref<32x79x128xf32, #tpu.memory_space<hbm>> -> memref<1x79x128xf32, #tpu.memory_space<hbm>>
      %dma_wait3A_36 = tpu.memref_squeeze %dma_wait3A_35 : memref<1x79x128xf32, #tpu.memory_space<hbm>> -> memref<79x128xf32, #tpu.memory_space<hbm>>
      tpu.wait_dma2 semaphore(%run_scoped3A : memref<!tpu.dma_semaphore, #tpu.memory_space<semaphore_mem>>) src(%arg5 : memref<79x128xf32, #tpu.memory_space<vmem>>) dst(%dma_wait3A_36 : memref<79x128xf32, #tpu.memory_space<hbm>>)
      tpu.yield
    }) : () -> ()
    return
  }
}

#map = affine_map<(d0, d1) -> (0, 0)>
#map1 = affine_map<(d0, d1) -> (0)>
#map2 = affine_map<(d0, d1) -> (0, 0, 0)>
module attributes {stable_mosaic.version = 14 : i64} {
  func.func @_agg_body(%arg0: i32, %arg1: i32, %arg2: memref<10000x128xf32, #tpu.memory_space<hbm>>, %arg3: memref<337152xi32, #tpu.memory_space<hbm>>, %arg4: memref<2528x128xi32, #tpu.memory_space<hbm>>, %arg5: memref<10112x128xf32, #tpu.memory_space<hbm>>, %arg6: memref<2x10112x128xf32, #tpu.memory_space<hbm>>, %arg7: memref<16896xi32, #tpu.memory_space<vmem>>, %arg8: memref<2x128xi32, #tpu.memory_space<vmem>>, %arg9: memref<256x128xf32, #tpu.memory_space<vmem>>, %arg10: memref<10112x128xf32, #tpu.memory_space<vmem_shared>>, %arg11: memref<!tpu.dma_semaphore, #tpu.memory_space<semaphore_mem>>, %arg12: memref<!tpu.dma_semaphore, #tpu.memory_space<semaphore_mem>>, %arg13: memref<!tpu.dma_semaphore, #tpu.memory_space<semaphore_mem>>, %arg14: memref<!tpu.dma_semaphore, #tpu.memory_space<semaphore_mem>>) attributes {dimension_semantics = [#tpu.dimension_semantics<core_parallel>, #tpu.dimension_semantics<subcore_parallel>], iteration_bounds = array<i64: 2, 16>, scalar_prefetch = 0 : i64, scratch_operands = 8 : i64, tpu.core_type = #tpu.core_type<sc_vector_subcore>, window_params = [{transform_indices = #map}, {transform_indices = #map1}, {transform_indices = #map}, {transform_indices = #map}, {transform_indices = #map2}]} {
    %mul3A = arith.constant 632 : i32
    %mul3A_0 = arith.muli %arg1, %mul3A : i32
    %eq3A = arith.constant 0 : i32
    %eq3A_1 = arith.cmpi eq, %arg0, %eq3A : i32
    %jit3A = arith.constant 132 : i32
    %jit3A_2 = arith.constant 26 : i32
    %select_n3A = arith.select %eq3A_1, %jit3A, %jit3A_2 : i32
    %mul3A_3 = arith.constant 158 : i32
    %mul3A_4 = arith.muli %arg1, %mul3A_3 : i32
    %mul3A_5 = arith.constant 132 : i32
    %mul3A_6 = arith.muli %arg0, %mul3A_5 : i32
    %add3A = arith.addi %mul3A_4, %mul3A_6 : i32
    %mul3A_7 = arith.constant 128 : i32
    %mul3A_8 = arith.muli %add3A, %mul3A_7 : i32
    "tpu.region"() ({
      %run_scoped3A = tpu.sem_alloc : memref<!tpu.dma_semaphore, #tpu.memory_space<semaphore_mem>>
      %dma_start3A = tpu.memref_slice %arg3[%mul3A_8] : memref<337152xi32, #tpu.memory_space<hbm>> -> memref<16896xi32, #tpu.memory_space<hbm>>
      %dma_start3A_64 = tpu.memref_slice %arg3[%mul3A_8] : memref<337152xi32, #tpu.memory_space<hbm>> -> memref<16896xi32, #tpu.memory_space<hbm>>
      tpu.enqueue_dma source(%dma_start3A_64 : memref<16896xi32, #tpu.memory_space<hbm>>) target(%arg7 : memref<16896xi32, #tpu.memory_space<vmem>>) target_semaphore(%run_scoped3A : memref<!tpu.dma_semaphore, #tpu.memory_space<semaphore_mem>>)
      %dma_wait3A_65 = tpu.memref_slice %arg3[%mul3A_8] : memref<337152xi32, #tpu.memory_space<hbm>> -> memref<16896xi32, #tpu.memory_space<hbm>>
      %dma_wait3A_66 = tpu.memref_slice %arg3[%mul3A_8] : memref<337152xi32, #tpu.memory_space<hbm>> -> memref<16896xi32, #tpu.memory_space<hbm>>
      tpu.wait_dma2 semaphore(%run_scoped3A : memref<!tpu.dma_semaphore, #tpu.memory_space<semaphore_mem>>) src(%dma_wait3A_66 : memref<16896xi32, #tpu.memory_space<hbm>>) dst(%arg7 : memref<16896xi32, #tpu.memory_space<vmem>>)
      tpu.yield
    }) : () -> ()
    "tpu.region"() ({
      %run_scoped3A = tpu.sem_alloc : memref<!tpu.dma_semaphore, #tpu.memory_space<semaphore_mem>>
      %dma_start3A = arith.constant 0 : i32
      %dma_start3A_64 = tpu.memref_slice %arg10[%mul3A_0, %dma_start3A] : memref<10112x128xf32, #tpu.memory_space<vmem_shared>> -> memref<632x128xf32, #tpu.memory_space<vmem_shared>>
      %dma_start3A_65 = arith.constant 0 : i32
      %dma_start3A_66 = tpu.memref_slice %arg5[%mul3A_0, %dma_start3A_65] : memref<10112x128xf32, #tpu.memory_space<hbm>> -> memref<632x128xf32, #tpu.memory_space<hbm>>
      tpu.enqueue_dma source(%dma_start3A_66 : memref<632x128xf32, #tpu.memory_space<hbm>>) target(%dma_start3A_64 : memref<632x128xf32, #tpu.memory_space<vmem_shared>>) target_semaphore(%run_scoped3A : memref<!tpu.dma_semaphore, #tpu.memory_space<semaphore_mem>>)
      %dma_wait3A_67 = arith.constant 0 : i32
      %dma_wait3A_68 = tpu.memref_slice %arg10[%mul3A_0, %dma_wait3A_67] : memref<10112x128xf32, #tpu.memory_space<vmem_shared>> -> memref<632x128xf32, #tpu.memory_space<vmem_shared>>
      %dma_wait3A_69 = arith.constant 0 : i32
      %dma_wait3A_70 = tpu.memref_slice %arg5[%mul3A_0, %dma_wait3A_69] : memref<10112x128xf32, #tpu.memory_space<hbm>> -> memref<632x128xf32, #tpu.memory_space<hbm>>
      tpu.wait_dma2 semaphore(%run_scoped3A : memref<!tpu.dma_semaphore, #tpu.memory_space<semaphore_mem>>) src(%dma_wait3A_70 : memref<632x128xf32, #tpu.memory_space<hbm>>) dst(%dma_wait3A_68 : memref<632x128xf32, #tpu.memory_space<vmem_shared>>)
      tpu.yield
    }) : () -> ()
    %barrier3A = arith.constant 0 : index
    tpu.barrier barrier_id(%barrier3A)
    %add3A_9 = arith.constant 3 : i32
    %add3A_10 = arith.addi %select_n3A, %add3A_9 : i32
    %jit3A_11 = arith.constant 2 : i32
    %div3A = arith.divsi %add3A_10, %jit3A_11 : i32
    %sign3A = arith.constant 0 : i32
    %sign3A_12 = arith.cmpi sgt, %add3A_10, %sign3A : i32
    %sign3A_13 = arith.extui %sign3A_12 : i1 to i32
    %sign3A_14 = arith.constant 0 : i32
    %sign3A_15 = arith.cmpi slt, %add3A_10, %sign3A_14 : i32
    %sign3A_16 = arith.extui %sign3A_15 : i1 to i32
    %sign3A_17 = arith.subi %sign3A_13, %sign3A_16 : i32
    %sign3A_18 = arith.constant 0 : i32
    %sign3A_19 = arith.cmpi sgt, %jit3A_11, %sign3A_18 : i32
    %sign3A_20 = arith.extui %sign3A_19 : i1 to i32
    %sign3A_21 = arith.constant 0 : i32
    %sign3A_22 = arith.cmpi slt, %jit3A_11, %sign3A_21 : i32
    %sign3A_23 = arith.extui %sign3A_22 : i1 to i32
    %sign3A_24 = arith.subi %sign3A_20, %sign3A_23 : i32
    %ne3A = arith.cmpi ne, %sign3A_17, %sign3A_24 : i32
    %rem3A = arith.remsi %add3A_10, %jit3A_11 : i32
    %ne3A_25 = arith.constant 0 : i32
    %ne3A_26 = arith.cmpi ne, %rem3A, %ne3A_25 : i32
    %and3A = arith.andi %ne3A, %ne3A_26 : i1
    %sub3A = arith.constant 1 : i32
    %sub3A_27 = arith.subi %div3A, %sub3A : i32
    %select_n3A_28 = arith.select %and3A, %sub3A_27, %div3A : i32
    %while3A = arith.constant 0 : i32
    %while3A_29 = arith.constant 0 : i32
    %while3A_30 = arith.subi %select_n3A_28, %while3A : i32
    %while3A_31 = arith.addi %while3A, %while3A_30 : i32
    %while3A_32 = arith.constant 1 : i32
    %while3A_33 = arith.divsi %while3A_30, %while3A_32 : i32
    %while3A_34 = arith.muli %while3A_33, %while3A_32 : i32
    %while3A_35 = arith.addi %while3A, %while3A_34 : i32
    %while3A_36 = arith.constant 1 : i32
    %while3A_37 = scf.for %while3A_64 = %while3A to %while3A_35 step %while3A_36 iter_args(%while3A_65 = %while3A_29) -> (i32)  : i32 {
      %mul3A_66 = arith.constant 2 : i32
      %mul3A_67 = arith.muli %while3A_64, %mul3A_66 : i32
      %add3A_68 = arith.constant 0 : i32
      %add3A_69 = arith.addi %mul3A_67, %add3A_68 : i32
      %lt3A = arith.cmpi slt, %add3A_69, %select_n3A : i32
      %convert_element_type3A = arith.extui %lt3A : i1 to i32
      %cond3A = arith.constant 0 : i32
      %cond3A_70 = arith.cmpi ne, %convert_element_type3A, %cond3A : i32
      scf.if %cond3A_70 {
        %ge3A_97 = arith.constant 2 : i32
        %ge3A_98 = arith.cmpi sge, %add3A_69, %ge3A_97 : i32
        %convert_element_type3A_99 = arith.extui %ge3A_98 : i1 to i32
        %cond3A_100 = arith.constant 0 : i32
        %cond3A_101 = arith.cmpi ne, %convert_element_type3A_99, %cond3A_100 : i32
        scf.if %cond3A_101 {
          %dma_wait3A_121 = arith.constant 0 : i32
          %dma_wait3A_122 = arith.constant 0 : i32
          %dma_wait3A_123 = tpu.memref_slice %arg9[%dma_wait3A_121, %dma_wait3A_122] : memref<256x128xf32, #tpu.memory_space<vmem>> -> memref<128x128xf32, #tpu.memory_space<vmem>>
          %dma_wait3A_124 = arith.constant 0 : i32
          %dma_wait3A_125 = arith.constant 0 : i32
          %dma_wait3A_126 = tpu.memref_slice %arg5[%dma_wait3A_124, %dma_wait3A_125] : memref<10112x128xf32, #tpu.memory_space<hbm>> -> memref<128x128xf32, #tpu.memory_space<hbm>>
          %dma_wait3A_127 = arith.constant 0 : i32
          %dma_wait3A_128 = arith.constant 0 : i32
          %dma_wait3A_129 = tpu.memref_slice %arg9[%dma_wait3A_127, %dma_wait3A_128] : memref<256x128xf32, #tpu.memory_space<vmem>> -> memref<128x128xf32, #tpu.memory_space<vmem>>
          %dma_wait3A_130 = arith.constant 0 : i32
          %dma_wait3A_131 = arith.constant 0 : i32
          %dma_wait3A_132 = tpu.memref_slice %arg5[%dma_wait3A_130, %dma_wait3A_131] : memref<10112x128xf32, #tpu.memory_space<hbm>> -> memref<128x128xf32, #tpu.memory_space<hbm>>
          tpu.wait_dma2 semaphore(%arg13 : memref<!tpu.dma_semaphore, #tpu.memory_space<semaphore_mem>>) src(%dma_wait3A_132 : memref<128x128xf32, #tpu.memory_space<hbm>>) dst(%dma_wait3A_129 : memref<128x128xf32, #tpu.memory_space<vmem>>)
        } else {
        }
        %add3A_102 = arith.addi %add3A, %add3A_69 : i32
        %dma_start3A = arith.constant 0 : i32
        %dma_start3A_103 = arith.constant 0 : i32
        %dma_start3A_104 = tpu.memref_slice %arg8[%dma_start3A, %dma_start3A_103] : memref<2x128xi32, #tpu.memory_space<vmem>> -> memref<1x128xi32, #tpu.memory_space<vmem>>
        %dma_start3A_105 = arith.constant 0 : i32
        %dma_start3A_106 = tpu.memref_slice %arg4[%add3A_102, %dma_start3A_105] : memref<2528x128xi32, #tpu.memory_space<hbm>> -> memref<1x128xi32, #tpu.memory_space<hbm>>
        %dma_start3A_107 = arith.constant 0 : i32
        %dma_start3A_108 = arith.constant 0 : i32
        %dma_start3A_109 = tpu.memref_slice %arg8[%dma_start3A_107, %dma_start3A_108] : memref<2x128xi32, #tpu.memory_space<vmem>> -> memref<1x128xi32, #tpu.memory_space<vmem>>
        %dma_start3A_110 = arith.constant 0 : i32
        %dma_start3A_111 = tpu.memref_slice %arg4[%add3A_102, %dma_start3A_110] : memref<2528x128xi32, #tpu.memory_space<hbm>> -> memref<1x128xi32, #tpu.memory_space<hbm>>
        tpu.enqueue_dma source(%dma_start3A_111 : memref<1x128xi32, #tpu.memory_space<hbm>>) target(%dma_start3A_109 : memref<1x128xi32, #tpu.memory_space<vmem>>) target_semaphore(%arg11 : memref<!tpu.dma_semaphore, #tpu.memory_space<semaphore_mem>>)
        %mul3A_112 = arith.constant 128 : i32
        %mul3A_113 = arith.muli %add3A_69, %mul3A_112 : i32
        %dma_start3A_114 = arith.constant 0 : i32
        %dma_start3A_115 = arith.constant 0 : i32
        %dma_start3A_116 = tpu.memref_slice %arg9[%dma_start3A_114, %dma_start3A_115] : memref<256x128xf32, #tpu.memory_space<vmem>> -> memref<128x128xf32, #tpu.memory_space<vmem>>
        %dma_start3A_117 = tpu.memref_slice %arg7[%mul3A_113] : memref<16896xi32, #tpu.memory_space<vmem>> -> memref<128xi32, #tpu.memory_space<vmem>>
        %dma_start3A_118 = arith.constant 0 : i32
        %dma_start3A_119 = arith.constant 0 : i32
        %dma_start3A_120 = tpu.memref_slice %arg2[%dma_start3A_118, %dma_start3A_119] : memref<10000x128xf32, #tpu.memory_space<hbm>> -> memref<10000x128xf32, #tpu.memory_space<hbm>>
        tpu.enqueue_indirect_dma source(%dma_start3A_120 : memref<10000x128xf32, #tpu.memory_space<hbm>>) target(%dma_start3A_116 : memref<128x128xf32, #tpu.memory_space<vmem>>) offsets(%dma_start3A_117 : memref<128xi32, #tpu.memory_space<vmem>>) semaphore(%arg11 : memref<!tpu.dma_semaphore, #tpu.memory_space<semaphore_mem>>)
      } else {
      }
      %sub3A_71 = arith.constant 1 : i32
      %sub3A_72 = arith.subi %add3A_69, %sub3A_71 : i32
      %ge3A = arith.constant 0 : i32
      %ge3A_73 = arith.cmpi sge, %sub3A_72, %ge3A : i32
      %lt3A_74 = arith.cmpi slt, %sub3A_72, %select_n3A : i32
      %and3A_75 = arith.andi %ge3A_73, %lt3A_74 : i1
      %convert_element_type3A_76 = arith.extui %and3A_75 : i1 to i32
      %cond3A_77 = arith.constant 0 : i32
      %cond3A_78 = arith.cmpi ne, %convert_element_type3A_76, %cond3A_77 : i32
      scf.if %cond3A_78 {
        %dma_wait3A_97 = arith.constant 128 : i32
        %dma_wait3A_98 = arith.constant 0 : i32
        %dma_wait3A_99 = tpu.memref_slice %arg9[%dma_wait3A_97, %dma_wait3A_98] : memref<256x128xf32, #tpu.memory_space<vmem>> -> memref<128x128xf32, #tpu.memory_space<vmem>>
        %dma_wait3A_100 = arith.constant 0 : i32
        %dma_wait3A_101 = arith.constant 0 : i32
        %dma_wait3A_102 = tpu.memref_slice %arg5[%dma_wait3A_100, %dma_wait3A_101] : memref<10112x128xf32, #tpu.memory_space<hbm>> -> memref<128x128xf32, #tpu.memory_space<hbm>>
        %dma_wait3A_103 = arith.constant 128 : i32
        %dma_wait3A_104 = arith.constant 0 : i32
        %dma_wait3A_105 = tpu.memref_slice %arg9[%dma_wait3A_103, %dma_wait3A_104] : memref<256x128xf32, #tpu.memory_space<vmem>> -> memref<128x128xf32, #tpu.memory_space<vmem>>
        %dma_wait3A_106 = arith.constant 0 : i32
        %dma_wait3A_107 = arith.constant 0 : i32
        %dma_wait3A_108 = tpu.memref_slice %arg5[%dma_wait3A_106, %dma_wait3A_107] : memref<10112x128xf32, #tpu.memory_space<hbm>> -> memref<128x128xf32, #tpu.memory_space<hbm>>
        tpu.wait_dma2 semaphore(%arg12 : memref<!tpu.dma_semaphore, #tpu.memory_space<semaphore_mem>>) src(%dma_wait3A_108 : memref<128x128xf32, #tpu.memory_space<hbm>>) dst(%dma_wait3A_105 : memref<128x128xf32, #tpu.memory_space<vmem>>)
        %dma_wait3A_109 = arith.constant 1 : i32
        %dma_wait3A_110 = arith.constant 0 : i32
        %dma_wait3A_111 = tpu.memref_slice %arg8[%dma_wait3A_109, %dma_wait3A_110] : memref<2x128xi32, #tpu.memory_space<vmem>> -> memref<1x128xi32, #tpu.memory_space<vmem>>
        %dma_wait3A_112 = arith.constant 0 : i32
        %dma_wait3A_113 = arith.constant 0 : i32
        %dma_wait3A_114 = tpu.memref_slice %arg4[%dma_wait3A_112, %dma_wait3A_113] : memref<2528x128xi32, #tpu.memory_space<hbm>> -> memref<1x128xi32, #tpu.memory_space<hbm>>
        %dma_wait3A_115 = arith.constant 1 : i32
        %dma_wait3A_116 = arith.constant 0 : i32
        %dma_wait3A_117 = tpu.memref_slice %arg8[%dma_wait3A_115, %dma_wait3A_116] : memref<2x128xi32, #tpu.memory_space<vmem>> -> memref<1x128xi32, #tpu.memory_space<vmem>>
        %dma_wait3A_118 = arith.constant 0 : i32
        %dma_wait3A_119 = arith.constant 0 : i32
        %dma_wait3A_120 = tpu.memref_slice %arg4[%dma_wait3A_118, %dma_wait3A_119] : memref<2528x128xi32, #tpu.memory_space<hbm>> -> memref<1x128xi32, #tpu.memory_space<hbm>>
        tpu.wait_dma2 semaphore(%arg12 : memref<!tpu.dma_semaphore, #tpu.memory_space<semaphore_mem>>) src(%dma_wait3A_120 : memref<1x128xi32, #tpu.memory_space<hbm>>) dst(%dma_wait3A_117 : memref<1x128xi32, #tpu.memory_space<vmem>>)
        %dma_start3A = arith.constant 1 : i32
        %dma_start3A_121 = arith.constant 128 : i32
        %dma_start3A_122 = arith.constant 0 : i32
        %dma_start3A_123 = tpu.memref_slice %arg9[%dma_start3A_121, %dma_start3A_122] : memref<256x128xf32, #tpu.memory_space<vmem>> -> memref<128x128xf32, #tpu.memory_space<vmem>>
        %dma_start3A_124 = arith.constant 0 : i32
        %dma_start3A_125 = tpu.memref_slice %arg8[%dma_start3A, %dma_start3A_124] : memref<2x128xi32, #tpu.memory_space<vmem>> -> memref<1x128xi32, #tpu.memory_space<vmem>>
        %dma_start3A_126 = tpu.memref_squeeze %dma_start3A_125 : memref<1x128xi32, #tpu.memory_space<vmem>> -> memref<128xi32, #tpu.memory_space<vmem>>
        %dma_start3A_127 = arith.constant 0 : i32
        %dma_start3A_128 = arith.constant 0 : i32
        %dma_start3A_129 = tpu.memref_slice %arg10[%dma_start3A_127, %dma_start3A_128] : memref<10112x128xf32, #tpu.memory_space<vmem_shared>> -> memref<10112x128xf32, #tpu.memory_space<vmem_shared>>
        tpu.enqueue_indirect_dma source(%dma_start3A_123 : memref<128x128xf32, #tpu.memory_space<vmem>>) target(%dma_start3A_129 : memref<10112x128xf32, #tpu.memory_space<vmem_shared>>) offsets(%dma_start3A_126 : memref<128xi32, #tpu.memory_space<vmem>>) semaphore(%arg14 : memref<!tpu.dma_semaphore, #tpu.memory_space<semaphore_mem>>) {add = true}
      } else {
      }
      %mul3A_79 = arith.constant 2 : i32
      %mul3A_80 = arith.muli %while3A_64, %mul3A_79 : i32
      %add3A_81 = arith.constant 1 : i32
      %add3A_82 = arith.addi %mul3A_80, %add3A_81 : i32
      %lt3A_83 = arith.cmpi slt, %add3A_82, %select_n3A : i32
      %convert_element_type3A_84 = arith.extui %lt3A_83 : i1 to i32
      %cond3A_85 = arith.constant 0 : i32
      %cond3A_86 = arith.cmpi ne, %convert_element_type3A_84, %cond3A_85 : i32
      scf.if %cond3A_86 {
        %ge3A_97 = arith.constant 2 : i32
        %ge3A_98 = arith.cmpi sge, %add3A_82, %ge3A_97 : i32
        %convert_element_type3A_99 = arith.extui %ge3A_98 : i1 to i32
        %cond3A_100 = arith.constant 0 : i32
        %cond3A_101 = arith.cmpi ne, %convert_element_type3A_99, %cond3A_100 : i32
        scf.if %cond3A_101 {
          %dma_wait3A_121 = arith.constant 128 : i32
          %dma_wait3A_122 = arith.constant 0 : i32
          %dma_wait3A_123 = tpu.memref_slice %arg9[%dma_wait3A_121, %dma_wait3A_122] : memref<256x128xf32, #tpu.memory_space<vmem>> -> memref<128x128xf32, #tpu.memory_space<vmem>>
          %dma_wait3A_124 = arith.constant 0 : i32
          %dma_wait3A_125 = arith.constant 0 : i32
          %dma_wait3A_126 = tpu.memref_slice %arg5[%dma_wait3A_124, %dma_wait3A_125] : memref<10112x128xf32, #tpu.memory_space<hbm>> -> memref<128x128xf32, #tpu.memory_space<hbm>>
          %dma_wait3A_127 = arith.constant 128 : i32
          %dma_wait3A_128 = arith.constant 0 : i32
          %dma_wait3A_129 = tpu.memref_slice %arg9[%dma_wait3A_127, %dma_wait3A_128] : memref<256x128xf32, #tpu.memory_space<vmem>> -> memref<128x128xf32, #tpu.memory_space<vmem>>
          %dma_wait3A_130 = arith.constant 0 : i32
          %dma_wait3A_131 = arith.constant 0 : i32
          %dma_wait3A_132 = tpu.memref_slice %arg5[%dma_wait3A_130, %dma_wait3A_131] : memref<10112x128xf32, #tpu.memory_space<hbm>> -> memref<128x128xf32, #tpu.memory_space<hbm>>
          tpu.wait_dma2 semaphore(%arg14 : memref<!tpu.dma_semaphore, #tpu.memory_space<semaphore_mem>>) src(%dma_wait3A_132 : memref<128x128xf32, #tpu.memory_space<hbm>>) dst(%dma_wait3A_129 : memref<128x128xf32, #tpu.memory_space<vmem>>)
        } else {
        }
        %add3A_102 = arith.addi %add3A, %add3A_82 : i32
        %dma_start3A = arith.constant 1 : i32
        %dma_start3A_103 = arith.constant 0 : i32
        %dma_start3A_104 = tpu.memref_slice %arg8[%dma_start3A, %dma_start3A_103] : memref<2x128xi32, #tpu.memory_space<vmem>> -> memref<1x128xi32, #tpu.memory_space<vmem>>
        %dma_start3A_105 = arith.constant 0 : i32
        %dma_start3A_106 = tpu.memref_slice %arg4[%add3A_102, %dma_start3A_105] : memref<2528x128xi32, #tpu.memory_space<hbm>> -> memref<1x128xi32, #tpu.memory_space<hbm>>
        %dma_start3A_107 = arith.constant 1 : i32
        %dma_start3A_108 = arith.constant 0 : i32
        %dma_start3A_109 = tpu.memref_slice %arg8[%dma_start3A_107, %dma_start3A_108] : memref<2x128xi32, #tpu.memory_space<vmem>> -> memref<1x128xi32, #tpu.memory_space<vmem>>
        %dma_start3A_110 = arith.constant 0 : i32
        %dma_start3A_111 = tpu.memref_slice %arg4[%add3A_102, %dma_start3A_110] : memref<2528x128xi32, #tpu.memory_space<hbm>> -> memref<1x128xi32, #tpu.memory_space<hbm>>
        tpu.enqueue_dma source(%dma_start3A_111 : memref<1x128xi32, #tpu.memory_space<hbm>>) target(%dma_start3A_109 : memref<1x128xi32, #tpu.memory_space<vmem>>) target_semaphore(%arg12 : memref<!tpu.dma_semaphore, #tpu.memory_space<semaphore_mem>>)
        %mul3A_112 = arith.constant 128 : i32
        %mul3A_113 = arith.muli %add3A_82, %mul3A_112 : i32
        %dma_start3A_114 = arith.constant 128 : i32
        %dma_start3A_115 = arith.constant 0 : i32
        %dma_start3A_116 = tpu.memref_slice %arg9[%dma_start3A_114, %dma_start3A_115] : memref<256x128xf32, #tpu.memory_space<vmem>> -> memref<128x128xf32, #tpu.memory_space<vmem>>
        %dma_start3A_117 = tpu.memref_slice %arg7[%mul3A_113] : memref<16896xi32, #tpu.memory_space<vmem>> -> memref<128xi32, #tpu.memory_space<vmem>>
        %dma_start3A_118 = arith.constant 0 : i32
        %dma_start3A_119 = arith.constant 0 : i32
        %dma_start3A_120 = tpu.memref_slice %arg2[%dma_start3A_118, %dma_start3A_119] : memref<10000x128xf32, #tpu.memory_space<hbm>> -> memref<10000x128xf32, #tpu.memory_space<hbm>>
        tpu.enqueue_indirect_dma source(%dma_start3A_120 : memref<10000x128xf32, #tpu.memory_space<hbm>>) target(%dma_start3A_116 : memref<128x128xf32, #tpu.memory_space<vmem>>) offsets(%dma_start3A_117 : memref<128xi32, #tpu.memory_space<vmem>>) semaphore(%arg12 : memref<!tpu.dma_semaphore, #tpu.memory_space<semaphore_mem>>)
      } else {
      }
      %sub3A_87 = arith.constant 1 : i32
      %sub3A_88 = arith.subi %add3A_82, %sub3A_87 : i32
      %ge3A_89 = arith.constant 0 : i32
      %ge3A_90 = arith.cmpi sge, %sub3A_88, %ge3A_89 : i32
      %lt3A_91 = arith.cmpi slt, %sub3A_88, %select_n3A : i32
      %and3A_92 = arith.andi %ge3A_90, %lt3A_91 : i1
      %convert_element_type3A_93 = arith.extui %and3A_92 : i1 to i32
      %cond3A_94 = arith.constant 0 : i32
      %cond3A_95 = arith.cmpi ne, %convert_element_type3A_93, %cond3A_94 : i32
      scf.if %cond3A_95 {
        %dma_wait3A_97 = arith.constant 0 : i32
        %dma_wait3A_98 = arith.constant 0 : i32
        %dma_wait3A_99 = tpu.memref_slice %arg9[%dma_wait3A_97, %dma_wait3A_98] : memref<256x128xf32, #tpu.memory_space<vmem>> -> memref<128x128xf32, #tpu.memory_space<vmem>>
        %dma_wait3A_100 = arith.constant 0 : i32
        %dma_wait3A_101 = arith.constant 0 : i32
        %dma_wait3A_102 = tpu.memref_slice %arg5[%dma_wait3A_100, %dma_wait3A_101] : memref<10112x128xf32, #tpu.memory_space<hbm>> -> memref<128x128xf32, #tpu.memory_space<hbm>>
        %dma_wait3A_103 = arith.constant 0 : i32
        %dma_wait3A_104 = arith.constant 0 : i32
        %dma_wait3A_105 = tpu.memref_slice %arg9[%dma_wait3A_103, %dma_wait3A_104] : memref<256x128xf32, #tpu.memory_space<vmem>> -> memref<128x128xf32, #tpu.memory_space<vmem>>
        %dma_wait3A_106 = arith.constant 0 : i32
        %dma_wait3A_107 = arith.constant 0 : i32
        %dma_wait3A_108 = tpu.memref_slice %arg5[%dma_wait3A_106, %dma_wait3A_107] : memref<10112x128xf32, #tpu.memory_space<hbm>> -> memref<128x128xf32, #tpu.memory_space<hbm>>
        tpu.wait_dma2 semaphore(%arg11 : memref<!tpu.dma_semaphore, #tpu.memory_space<semaphore_mem>>) src(%dma_wait3A_108 : memref<128x128xf32, #tpu.memory_space<hbm>>) dst(%dma_wait3A_105 : memref<128x128xf32, #tpu.memory_space<vmem>>)
        %dma_wait3A_109 = arith.constant 0 : i32
        %dma_wait3A_110 = arith.constant 0 : i32
        %dma_wait3A_111 = tpu.memref_slice %arg8[%dma_wait3A_109, %dma_wait3A_110] : memref<2x128xi32, #tpu.memory_space<vmem>> -> memref<1x128xi32, #tpu.memory_space<vmem>>
        %dma_wait3A_112 = arith.constant 0 : i32
        %dma_wait3A_113 = arith.constant 0 : i32
        %dma_wait3A_114 = tpu.memref_slice %arg4[%dma_wait3A_112, %dma_wait3A_113] : memref<2528x128xi32, #tpu.memory_space<hbm>> -> memref<1x128xi32, #tpu.memory_space<hbm>>
        %dma_wait3A_115 = arith.constant 0 : i32
        %dma_wait3A_116 = arith.constant 0 : i32
        %dma_wait3A_117 = tpu.memref_slice %arg8[%dma_wait3A_115, %dma_wait3A_116] : memref<2x128xi32, #tpu.memory_space<vmem>> -> memref<1x128xi32, #tpu.memory_space<vmem>>
        %dma_wait3A_118 = arith.constant 0 : i32
        %dma_wait3A_119 = arith.constant 0 : i32
        %dma_wait3A_120 = tpu.memref_slice %arg4[%dma_wait3A_118, %dma_wait3A_119] : memref<2528x128xi32, #tpu.memory_space<hbm>> -> memref<1x128xi32, #tpu.memory_space<hbm>>
        tpu.wait_dma2 semaphore(%arg11 : memref<!tpu.dma_semaphore, #tpu.memory_space<semaphore_mem>>) src(%dma_wait3A_120 : memref<1x128xi32, #tpu.memory_space<hbm>>) dst(%dma_wait3A_117 : memref<1x128xi32, #tpu.memory_space<vmem>>)
        %dma_start3A = arith.constant 0 : i32
        %dma_start3A_121 = arith.constant 0 : i32
        %dma_start3A_122 = arith.constant 0 : i32
        %dma_start3A_123 = tpu.memref_slice %arg9[%dma_start3A_121, %dma_start3A_122] : memref<256x128xf32, #tpu.memory_space<vmem>> -> memref<128x128xf32, #tpu.memory_space<vmem>>
        %dma_start3A_124 = arith.constant 0 : i32
        %dma_start3A_125 = tpu.memref_slice %arg8[%dma_start3A, %dma_start3A_124] : memref<2x128xi32, #tpu.memory_space<vmem>> -> memref<1x128xi32, #tpu.memory_space<vmem>>
        %dma_start3A_126 = tpu.memref_squeeze %dma_start3A_125 : memref<1x128xi32, #tpu.memory_space<vmem>> -> memref<128xi32, #tpu.memory_space<vmem>>
        %dma_start3A_127 = arith.constant 0 : i32
        %dma_start3A_128 = arith.constant 0 : i32
        %dma_start3A_129 = tpu.memref_slice %arg10[%dma_start3A_127, %dma_start3A_128] : memref<10112x128xf32, #tpu.memory_space<vmem_shared>> -> memref<10112x128xf32, #tpu.memory_space<vmem_shared>>
        tpu.enqueue_indirect_dma source(%dma_start3A_123 : memref<128x128xf32, #tpu.memory_space<vmem>>) target(%dma_start3A_129 : memref<10112x128xf32, #tpu.memory_space<vmem_shared>>) offsets(%dma_start3A_126 : memref<128xi32, #tpu.memory_space<vmem>>) semaphore(%arg13 : memref<!tpu.dma_semaphore, #tpu.memory_space<semaphore_mem>>) {add = true}
      } else {
      }
      %while3A_96 = arith.constant 0 : i32
      scf.yield %while3A_96 : i32
    }
    %while3A_38 = arith.constant 1 : i32
    %while3A_39 = scf.for %while3A_64 = %while3A_35 to %while3A_31 step %while3A_38 iter_args(%while3A_65 = %while3A_37) -> (i32)  : i32 {
      %mul3A_66 = arith.constant 2 : i32
      %mul3A_67 = arith.muli %while3A_64, %mul3A_66 : i32
      %add3A_68 = arith.constant 0 : i32
      %add3A_69 = arith.addi %mul3A_67, %add3A_68 : i32
      %lt3A = arith.cmpi slt, %add3A_69, %select_n3A : i32
      %convert_element_type3A = arith.extui %lt3A : i1 to i32
      %cond3A = arith.constant 0 : i32
      %cond3A_70 = arith.cmpi ne, %convert_element_type3A, %cond3A : i32
      scf.if %cond3A_70 {
        %ge3A_97 = arith.constant 2 : i32
        %ge3A_98 = arith.cmpi sge, %add3A_69, %ge3A_97 : i32
        %convert_element_type3A_99 = arith.extui %ge3A_98 : i1 to i32
        %cond3A_100 = arith.constant 0 : i32
        %cond3A_101 = arith.cmpi ne, %convert_element_type3A_99, %cond3A_100 : i32
        scf.if %cond3A_101 {
          %dma_wait3A_121 = arith.constant 0 : i32
          %dma_wait3A_122 = arith.constant 0 : i32
          %dma_wait3A_123 = tpu.memref_slice %arg9[%dma_wait3A_121, %dma_wait3A_122] : memref<256x128xf32, #tpu.memory_space<vmem>> -> memref<128x128xf32, #tpu.memory_space<vmem>>
          %dma_wait3A_124 = arith.constant 0 : i32
          %dma_wait3A_125 = arith.constant 0 : i32
          %dma_wait3A_126 = tpu.memref_slice %arg5[%dma_wait3A_124, %dma_wait3A_125] : memref<10112x128xf32, #tpu.memory_space<hbm>> -> memref<128x128xf32, #tpu.memory_space<hbm>>
          %dma_wait3A_127 = arith.constant 0 : i32
          %dma_wait3A_128 = arith.constant 0 : i32
          %dma_wait3A_129 = tpu.memref_slice %arg9[%dma_wait3A_127, %dma_wait3A_128] : memref<256x128xf32, #tpu.memory_space<vmem>> -> memref<128x128xf32, #tpu.memory_space<vmem>>
          %dma_wait3A_130 = arith.constant 0 : i32
          %dma_wait3A_131 = arith.constant 0 : i32
          %dma_wait3A_132 = tpu.memref_slice %arg5[%dma_wait3A_130, %dma_wait3A_131] : memref<10112x128xf32, #tpu.memory_space<hbm>> -> memref<128x128xf32, #tpu.memory_space<hbm>>
          tpu.wait_dma2 semaphore(%arg13 : memref<!tpu.dma_semaphore, #tpu.memory_space<semaphore_mem>>) src(%dma_wait3A_132 : memref<128x128xf32, #tpu.memory_space<hbm>>) dst(%dma_wait3A_129 : memref<128x128xf32, #tpu.memory_space<vmem>>)
        } else {
        }
        %add3A_102 = arith.addi %add3A, %add3A_69 : i32
        %dma_start3A = arith.constant 0 : i32
        %dma_start3A_103 = arith.constant 0 : i32
        %dma_start3A_104 = tpu.memref_slice %arg8[%dma_start3A, %dma_start3A_103] : memref<2x128xi32, #tpu.memory_space<vmem>> -> memref<1x128xi32, #tpu.memory_space<vmem>>
        %dma_start3A_105 = arith.constant 0 : i32
        %dma_start3A_106 = tpu.memref_slice %arg4[%add3A_102, %dma_start3A_105] : memref<2528x128xi32, #tpu.memory_space<hbm>> -> memref<1x128xi32, #tpu.memory_space<hbm>>
        %dma_start3A_107 = arith.constant 0 : i32
        %dma_start3A_108 = arith.constant 0 : i32
        %dma_start3A_109 = tpu.memref_slice %arg8[%dma_start3A_107, %dma_start3A_108] : memref<2x128xi32, #tpu.memory_space<vmem>> -> memref<1x128xi32, #tpu.memory_space<vmem>>
        %dma_start3A_110 = arith.constant 0 : i32
        %dma_start3A_111 = tpu.memref_slice %arg4[%add3A_102, %dma_start3A_110] : memref<2528x128xi32, #tpu.memory_space<hbm>> -> memref<1x128xi32, #tpu.memory_space<hbm>>
        tpu.enqueue_dma source(%dma_start3A_111 : memref<1x128xi32, #tpu.memory_space<hbm>>) target(%dma_start3A_109 : memref<1x128xi32, #tpu.memory_space<vmem>>) target_semaphore(%arg11 : memref<!tpu.dma_semaphore, #tpu.memory_space<semaphore_mem>>)
        %mul3A_112 = arith.constant 128 : i32
        %mul3A_113 = arith.muli %add3A_69, %mul3A_112 : i32
        %dma_start3A_114 = arith.constant 0 : i32
        %dma_start3A_115 = arith.constant 0 : i32
        %dma_start3A_116 = tpu.memref_slice %arg9[%dma_start3A_114, %dma_start3A_115] : memref<256x128xf32, #tpu.memory_space<vmem>> -> memref<128x128xf32, #tpu.memory_space<vmem>>
        %dma_start3A_117 = tpu.memref_slice %arg7[%mul3A_113] : memref<16896xi32, #tpu.memory_space<vmem>> -> memref<128xi32, #tpu.memory_space<vmem>>
        %dma_start3A_118 = arith.constant 0 : i32
        %dma_start3A_119 = arith.constant 0 : i32
        %dma_start3A_120 = tpu.memref_slice %arg2[%dma_start3A_118, %dma_start3A_119] : memref<10000x128xf32, #tpu.memory_space<hbm>> -> memref<10000x128xf32, #tpu.memory_space<hbm>>
        tpu.enqueue_indirect_dma source(%dma_start3A_120 : memref<10000x128xf32, #tpu.memory_space<hbm>>) target(%dma_start3A_116 : memref<128x128xf32, #tpu.memory_space<vmem>>) offsets(%dma_start3A_117 : memref<128xi32, #tpu.memory_space<vmem>>) semaphore(%arg11 : memref<!tpu.dma_semaphore, #tpu.memory_space<semaphore_mem>>)
      } else {
      }
      %sub3A_71 = arith.constant 1 : i32
      %sub3A_72 = arith.subi %add3A_69, %sub3A_71 : i32
      %ge3A = arith.constant 0 : i32
      %ge3A_73 = arith.cmpi sge, %sub3A_72, %ge3A : i32
      %lt3A_74 = arith.cmpi slt, %sub3A_72, %select_n3A : i32
      %and3A_75 = arith.andi %ge3A_73, %lt3A_74 : i1
      %convert_element_type3A_76 = arith.extui %and3A_75 : i1 to i32
      %cond3A_77 = arith.constant 0 : i32
      %cond3A_78 = arith.cmpi ne, %convert_element_type3A_76, %cond3A_77 : i32
      scf.if %cond3A_78 {
        %dma_wait3A_97 = arith.constant 128 : i32
        %dma_wait3A_98 = arith.constant 0 : i32
        %dma_wait3A_99 = tpu.memref_slice %arg9[%dma_wait3A_97, %dma_wait3A_98] : memref<256x128xf32, #tpu.memory_space<vmem>> -> memref<128x128xf32, #tpu.memory_space<vmem>>
        %dma_wait3A_100 = arith.constant 0 : i32
        %dma_wait3A_101 = arith.constant 0 : i32
        %dma_wait3A_102 = tpu.memref_slice %arg5[%dma_wait3A_100, %dma_wait3A_101] : memref<10112x128xf32, #tpu.memory_space<hbm>> -> memref<128x128xf32, #tpu.memory_space<hbm>>
        %dma_wait3A_103 = arith.constant 128 : i32
        %dma_wait3A_104 = arith.constant 0 : i32
        %dma_wait3A_105 = tpu.memref_slice %arg9[%dma_wait3A_103, %dma_wait3A_104] : memref<256x128xf32, #tpu.memory_space<vmem>> -> memref<128x128xf32, #tpu.memory_space<vmem>>
        %dma_wait3A_106 = arith.constant 0 : i32
        %dma_wait3A_107 = arith.constant 0 : i32
        %dma_wait3A_108 = tpu.memref_slice %arg5[%dma_wait3A_106, %dma_wait3A_107] : memref<10112x128xf32, #tpu.memory_space<hbm>> -> memref<128x128xf32, #tpu.memory_space<hbm>>
        tpu.wait_dma2 semaphore(%arg12 : memref<!tpu.dma_semaphore, #tpu.memory_space<semaphore_mem>>) src(%dma_wait3A_108 : memref<128x128xf32, #tpu.memory_space<hbm>>) dst(%dma_wait3A_105 : memref<128x128xf32, #tpu.memory_space<vmem>>)
        %dma_wait3A_109 = arith.constant 1 : i32
        %dma_wait3A_110 = arith.constant 0 : i32
        %dma_wait3A_111 = tpu.memref_slice %arg8[%dma_wait3A_109, %dma_wait3A_110] : memref<2x128xi32, #tpu.memory_space<vmem>> -> memref<1x128xi32, #tpu.memory_space<vmem>>
        %dma_wait3A_112 = arith.constant 0 : i32
        %dma_wait3A_113 = arith.constant 0 : i32
        %dma_wait3A_114 = tpu.memref_slice %arg4[%dma_wait3A_112, %dma_wait3A_113] : memref<2528x128xi32, #tpu.memory_space<hbm>> -> memref<1x128xi32, #tpu.memory_space<hbm>>
        %dma_wait3A_115 = arith.constant 1 : i32
        %dma_wait3A_116 = arith.constant 0 : i32
        %dma_wait3A_117 = tpu.memref_slice %arg8[%dma_wait3A_115, %dma_wait3A_116] : memref<2x128xi32, #tpu.memory_space<vmem>> -> memref<1x128xi32, #tpu.memory_space<vmem>>
        %dma_wait3A_118 = arith.constant 0 : i32
        %dma_wait3A_119 = arith.constant 0 : i32
        %dma_wait3A_120 = tpu.memref_slice %arg4[%dma_wait3A_118, %dma_wait3A_119] : memref<2528x128xi32, #tpu.memory_space<hbm>> -> memref<1x128xi32, #tpu.memory_space<hbm>>
        tpu.wait_dma2 semaphore(%arg12 : memref<!tpu.dma_semaphore, #tpu.memory_space<semaphore_mem>>) src(%dma_wait3A_120 : memref<1x128xi32, #tpu.memory_space<hbm>>) dst(%dma_wait3A_117 : memref<1x128xi32, #tpu.memory_space<vmem>>)
        %dma_start3A = arith.constant 1 : i32
        %dma_start3A_121 = arith.constant 128 : i32
        %dma_start3A_122 = arith.constant 0 : i32
        %dma_start3A_123 = tpu.memref_slice %arg9[%dma_start3A_121, %dma_start3A_122] : memref<256x128xf32, #tpu.memory_space<vmem>> -> memref<128x128xf32, #tpu.memory_space<vmem>>
        %dma_start3A_124 = arith.constant 0 : i32
        %dma_start3A_125 = tpu.memref_slice %arg8[%dma_start3A, %dma_start3A_124] : memref<2x128xi32, #tpu.memory_space<vmem>> -> memref<1x128xi32, #tpu.memory_space<vmem>>
        %dma_start3A_126 = tpu.memref_squeeze %dma_start3A_125 : memref<1x128xi32, #tpu.memory_space<vmem>> -> memref<128xi32, #tpu.memory_space<vmem>>
        %dma_start3A_127 = arith.constant 0 : i32
        %dma_start3A_128 = arith.constant 0 : i32
        %dma_start3A_129 = tpu.memref_slice %arg10[%dma_start3A_127, %dma_start3A_128] : memref<10112x128xf32, #tpu.memory_space<vmem_shared>> -> memref<10112x128xf32, #tpu.memory_space<vmem_shared>>
        tpu.enqueue_indirect_dma source(%dma_start3A_123 : memref<128x128xf32, #tpu.memory_space<vmem>>) target(%dma_start3A_129 : memref<10112x128xf32, #tpu.memory_space<vmem_shared>>) offsets(%dma_start3A_126 : memref<128xi32, #tpu.memory_space<vmem>>) semaphore(%arg14 : memref<!tpu.dma_semaphore, #tpu.memory_space<semaphore_mem>>) {add = true}
      } else {
      }
      %mul3A_79 = arith.constant 2 : i32
      %mul3A_80 = arith.muli %while3A_64, %mul3A_79 : i32
      %add3A_81 = arith.constant 1 : i32
      %add3A_82 = arith.addi %mul3A_80, %add3A_81 : i32
      %lt3A_83 = arith.cmpi slt, %add3A_82, %select_n3A : i32
      %convert_element_type3A_84 = arith.extui %lt3A_83 : i1 to i32
      %cond3A_85 = arith.constant 0 : i32
      %cond3A_86 = arith.cmpi ne, %convert_element_type3A_84, %cond3A_85 : i32
      scf.if %cond3A_86 {
        %ge3A_97 = arith.constant 2 : i32
        %ge3A_98 = arith.cmpi sge, %add3A_82, %ge3A_97 : i32
        %convert_element_type3A_99 = arith.extui %ge3A_98 : i1 to i32
        %cond3A_100 = arith.constant 0 : i32
        %cond3A_101 = arith.cmpi ne, %convert_element_type3A_99, %cond3A_100 : i32
        scf.if %cond3A_101 {
          %dma_wait3A_121 = arith.constant 128 : i32
          %dma_wait3A_122 = arith.constant 0 : i32
          %dma_wait3A_123 = tpu.memref_slice %arg9[%dma_wait3A_121, %dma_wait3A_122] : memref<256x128xf32, #tpu.memory_space<vmem>> -> memref<128x128xf32, #tpu.memory_space<vmem>>
          %dma_wait3A_124 = arith.constant 0 : i32
          %dma_wait3A_125 = arith.constant 0 : i32
          %dma_wait3A_126 = tpu.memref_slice %arg5[%dma_wait3A_124, %dma_wait3A_125] : memref<10112x128xf32, #tpu.memory_space<hbm>> -> memref<128x128xf32, #tpu.memory_space<hbm>>
          %dma_wait3A_127 = arith.constant 128 : i32
          %dma_wait3A_128 = arith.constant 0 : i32
          %dma_wait3A_129 = tpu.memref_slice %arg9[%dma_wait3A_127, %dma_wait3A_128] : memref<256x128xf32, #tpu.memory_space<vmem>> -> memref<128x128xf32, #tpu.memory_space<vmem>>
          %dma_wait3A_130 = arith.constant 0 : i32
          %dma_wait3A_131 = arith.constant 0 : i32
          %dma_wait3A_132 = tpu.memref_slice %arg5[%dma_wait3A_130, %dma_wait3A_131] : memref<10112x128xf32, #tpu.memory_space<hbm>> -> memref<128x128xf32, #tpu.memory_space<hbm>>
          tpu.wait_dma2 semaphore(%arg14 : memref<!tpu.dma_semaphore, #tpu.memory_space<semaphore_mem>>) src(%dma_wait3A_132 : memref<128x128xf32, #tpu.memory_space<hbm>>) dst(%dma_wait3A_129 : memref<128x128xf32, #tpu.memory_space<vmem>>)
        } else {
        }
        %add3A_102 = arith.addi %add3A, %add3A_82 : i32
        %dma_start3A = arith.constant 1 : i32
        %dma_start3A_103 = arith.constant 0 : i32
        %dma_start3A_104 = tpu.memref_slice %arg8[%dma_start3A, %dma_start3A_103] : memref<2x128xi32, #tpu.memory_space<vmem>> -> memref<1x128xi32, #tpu.memory_space<vmem>>
        %dma_start3A_105 = arith.constant 0 : i32
        %dma_start3A_106 = tpu.memref_slice %arg4[%add3A_102, %dma_start3A_105] : memref<2528x128xi32, #tpu.memory_space<hbm>> -> memref<1x128xi32, #tpu.memory_space<hbm>>
        %dma_start3A_107 = arith.constant 1 : i32
        %dma_start3A_108 = arith.constant 0 : i32
        %dma_start3A_109 = tpu.memref_slice %arg8[%dma_start3A_107, %dma_start3A_108] : memref<2x128xi32, #tpu.memory_space<vmem>> -> memref<1x128xi32, #tpu.memory_space<vmem>>
        %dma_start3A_110 = arith.constant 0 : i32
        %dma_start3A_111 = tpu.memref_slice %arg4[%add3A_102, %dma_start3A_110] : memref<2528x128xi32, #tpu.memory_space<hbm>> -> memref<1x128xi32, #tpu.memory_space<hbm>>
        tpu.enqueue_dma source(%dma_start3A_111 : memref<1x128xi32, #tpu.memory_space<hbm>>) target(%dma_start3A_109 : memref<1x128xi32, #tpu.memory_space<vmem>>) target_semaphore(%arg12 : memref<!tpu.dma_semaphore, #tpu.memory_space<semaphore_mem>>)
        %mul3A_112 = arith.constant 128 : i32
        %mul3A_113 = arith.muli %add3A_82, %mul3A_112 : i32
        %dma_start3A_114 = arith.constant 128 : i32
        %dma_start3A_115 = arith.constant 0 : i32
        %dma_start3A_116 = tpu.memref_slice %arg9[%dma_start3A_114, %dma_start3A_115] : memref<256x128xf32, #tpu.memory_space<vmem>> -> memref<128x128xf32, #tpu.memory_space<vmem>>
        %dma_start3A_117 = tpu.memref_slice %arg7[%mul3A_113] : memref<16896xi32, #tpu.memory_space<vmem>> -> memref<128xi32, #tpu.memory_space<vmem>>
        %dma_start3A_118 = arith.constant 0 : i32
        %dma_start3A_119 = arith.constant 0 : i32
        %dma_start3A_120 = tpu.memref_slice %arg2[%dma_start3A_118, %dma_start3A_119] : memref<10000x128xf32, #tpu.memory_space<hbm>> -> memref<10000x128xf32, #tpu.memory_space<hbm>>
        tpu.enqueue_indirect_dma source(%dma_start3A_120 : memref<10000x128xf32, #tpu.memory_space<hbm>>) target(%dma_start3A_116 : memref<128x128xf32, #tpu.memory_space<vmem>>) offsets(%dma_start3A_117 : memref<128xi32, #tpu.memory_space<vmem>>) semaphore(%arg12 : memref<!tpu.dma_semaphore, #tpu.memory_space<semaphore_mem>>)
      } else {
      }
      %sub3A_87 = arith.constant 1 : i32
      %sub3A_88 = arith.subi %add3A_82, %sub3A_87 : i32
      %ge3A_89 = arith.constant 0 : i32
      %ge3A_90 = arith.cmpi sge, %sub3A_88, %ge3A_89 : i32
      %lt3A_91 = arith.cmpi slt, %sub3A_88, %select_n3A : i32
      %and3A_92 = arith.andi %ge3A_90, %lt3A_91 : i1
      %convert_element_type3A_93 = arith.extui %and3A_92 : i1 to i32
      %cond3A_94 = arith.constant 0 : i32
      %cond3A_95 = arith.cmpi ne, %convert_element_type3A_93, %cond3A_94 : i32
      scf.if %cond3A_95 {
        %dma_wait3A_97 = arith.constant 0 : i32
        %dma_wait3A_98 = arith.constant 0 : i32
        %dma_wait3A_99 = tpu.memref_slice %arg9[%dma_wait3A_97, %dma_wait3A_98] : memref<256x128xf32, #tpu.memory_space<vmem>> -> memref<128x128xf32, #tpu.memory_space<vmem>>
        %dma_wait3A_100 = arith.constant 0 : i32
        %dma_wait3A_101 = arith.constant 0 : i32
        %dma_wait3A_102 = tpu.memref_slice %arg5[%dma_wait3A_100, %dma_wait3A_101] : memref<10112x128xf32, #tpu.memory_space<hbm>> -> memref<128x128xf32, #tpu.memory_space<hbm>>
        %dma_wait3A_103 = arith.constant 0 : i32
        %dma_wait3A_104 = arith.constant 0 : i32
        %dma_wait3A_105 = tpu.memref_slice %arg9[%dma_wait3A_103, %dma_wait3A_104] : memref<256x128xf32, #tpu.memory_space<vmem>> -> memref<128x128xf32, #tpu.memory_space<vmem>>
        %dma_wait3A_106 = arith.constant 0 : i32
        %dma_wait3A_107 = arith.constant 0 : i32
        %dma_wait3A_108 = tpu.memref_slice %arg5[%dma_wait3A_106, %dma_wait3A_107] : memref<10112x128xf32, #tpu.memory_space<hbm>> -> memref<128x128xf32, #tpu.memory_space<hbm>>
        tpu.wait_dma2 semaphore(%arg11 : memref<!tpu.dma_semaphore, #tpu.memory_space<semaphore_mem>>) src(%dma_wait3A_108 : memref<128x128xf32, #tpu.memory_space<hbm>>) dst(%dma_wait3A_105 : memref<128x128xf32, #tpu.memory_space<vmem>>)
        %dma_wait3A_109 = arith.constant 0 : i32
        %dma_wait3A_110 = arith.constant 0 : i32
        %dma_wait3A_111 = tpu.memref_slice %arg8[%dma_wait3A_109, %dma_wait3A_110] : memref<2x128xi32, #tpu.memory_space<vmem>> -> memref<1x128xi32, #tpu.memory_space<vmem>>
        %dma_wait3A_112 = arith.constant 0 : i32
        %dma_wait3A_113 = arith.constant 0 : i32
        %dma_wait3A_114 = tpu.memref_slice %arg4[%dma_wait3A_112, %dma_wait3A_113] : memref<2528x128xi32, #tpu.memory_space<hbm>> -> memref<1x128xi32, #tpu.memory_space<hbm>>
        %dma_wait3A_115 = arith.constant 0 : i32
        %dma_wait3A_116 = arith.constant 0 : i32
        %dma_wait3A_117 = tpu.memref_slice %arg8[%dma_wait3A_115, %dma_wait3A_116] : memref<2x128xi32, #tpu.memory_space<vmem>> -> memref<1x128xi32, #tpu.memory_space<vmem>>
        %dma_wait3A_118 = arith.constant 0 : i32
        %dma_wait3A_119 = arith.constant 0 : i32
        %dma_wait3A_120 = tpu.memref_slice %arg4[%dma_wait3A_118, %dma_wait3A_119] : memref<2528x128xi32, #tpu.memory_space<hbm>> -> memref<1x128xi32, #tpu.memory_space<hbm>>
        tpu.wait_dma2 semaphore(%arg11 : memref<!tpu.dma_semaphore, #tpu.memory_space<semaphore_mem>>) src(%dma_wait3A_120 : memref<1x128xi32, #tpu.memory_space<hbm>>) dst(%dma_wait3A_117 : memref<1x128xi32, #tpu.memory_space<vmem>>)
        %dma_start3A = arith.constant 0 : i32
        %dma_start3A_121 = arith.constant 0 : i32
        %dma_start3A_122 = arith.constant 0 : i32
        %dma_start3A_123 = tpu.memref_slice %arg9[%dma_start3A_121, %dma_start3A_122] : memref<256x128xf32, #tpu.memory_space<vmem>> -> memref<128x128xf32, #tpu.memory_space<vmem>>
        %dma_start3A_124 = arith.constant 0 : i32
        %dma_start3A_125 = tpu.memref_slice %arg8[%dma_start3A, %dma_start3A_124] : memref<2x128xi32, #tpu.memory_space<vmem>> -> memref<1x128xi32, #tpu.memory_space<vmem>>
        %dma_start3A_126 = tpu.memref_squeeze %dma_start3A_125 : memref<1x128xi32, #tpu.memory_space<vmem>> -> memref<128xi32, #tpu.memory_space<vmem>>
        %dma_start3A_127 = arith.constant 0 : i32
        %dma_start3A_128 = arith.constant 0 : i32
        %dma_start3A_129 = tpu.memref_slice %arg10[%dma_start3A_127, %dma_start3A_128] : memref<10112x128xf32, #tpu.memory_space<vmem_shared>> -> memref<10112x128xf32, #tpu.memory_space<vmem_shared>>
        tpu.enqueue_indirect_dma source(%dma_start3A_123 : memref<128x128xf32, #tpu.memory_space<vmem>>) target(%dma_start3A_129 : memref<10112x128xf32, #tpu.memory_space<vmem_shared>>) offsets(%dma_start3A_126 : memref<128xi32, #tpu.memory_space<vmem>>) semaphore(%arg13 : memref<!tpu.dma_semaphore, #tpu.memory_space<semaphore_mem>>) {add = true}
      } else {
      }
      %while3A_96 = arith.constant 0 : i32
      scf.yield %while3A_96 : i32
    }
    %dma_wait3A = arith.constant 0 : i32
    %dma_wait3A_40 = arith.constant 0 : i32
    %dma_wait3A_41 = tpu.memref_slice %arg9[%dma_wait3A, %dma_wait3A_40] : memref<256x128xf32, #tpu.memory_space<vmem>> -> memref<128x128xf32, #tpu.memory_space<vmem>>
    %dma_wait3A_42 = arith.constant 0 : i32
    %dma_wait3A_43 = arith.constant 0 : i32
    %dma_wait3A_44 = tpu.memref_slice %arg5[%dma_wait3A_42, %dma_wait3A_43] : memref<10112x128xf32, #tpu.memory_space<hbm>> -> memref<128x128xf32, #tpu.memory_space<hbm>>
    %dma_wait3A_45 = arith.constant 0 : i32
    %dma_wait3A_46 = arith.constant 0 : i32
    %dma_wait3A_47 = tpu.memref_slice %arg9[%dma_wait3A_45, %dma_wait3A_46] : memref<256x128xf32, #tpu.memory_space<vmem>> -> memref<128x128xf32, #tpu.memory_space<vmem>>
    %dma_wait3A_48 = arith.constant 0 : i32
    %dma_wait3A_49 = arith.constant 0 : i32
    %dma_wait3A_50 = tpu.memref_slice %arg5[%dma_wait3A_48, %dma_wait3A_49] : memref<10112x128xf32, #tpu.memory_space<hbm>> -> memref<128x128xf32, #tpu.memory_space<hbm>>
    tpu.wait_dma2 semaphore(%arg13 : memref<!tpu.dma_semaphore, #tpu.memory_space<semaphore_mem>>) src(%dma_wait3A_50 : memref<128x128xf32, #tpu.memory_space<hbm>>) dst(%dma_wait3A_47 : memref<128x128xf32, #tpu.memory_space<vmem>>)
    %dma_wait3A_51 = arith.constant 128 : i32
    %dma_wait3A_52 = arith.constant 0 : i32
    %dma_wait3A_53 = tpu.memref_slice %arg9[%dma_wait3A_51, %dma_wait3A_52] : memref<256x128xf32, #tpu.memory_space<vmem>> -> memref<128x128xf32, #tpu.memory_space<vmem>>
    %dma_wait3A_54 = arith.constant 0 : i32
    %dma_wait3A_55 = arith.constant 0 : i32
    %dma_wait3A_56 = tpu.memref_slice %arg5[%dma_wait3A_54, %dma_wait3A_55] : memref<10112x128xf32, #tpu.memory_space<hbm>> -> memref<128x128xf32, #tpu.memory_space<hbm>>
    %dma_wait3A_57 = arith.constant 128 : i32
    %dma_wait3A_58 = arith.constant 0 : i32
    %dma_wait3A_59 = tpu.memref_slice %arg9[%dma_wait3A_57, %dma_wait3A_58] : memref<256x128xf32, #tpu.memory_space<vmem>> -> memref<128x128xf32, #tpu.memory_space<vmem>>
    %dma_wait3A_60 = arith.constant 0 : i32
    %dma_wait3A_61 = arith.constant 0 : i32
    %dma_wait3A_62 = tpu.memref_slice %arg5[%dma_wait3A_60, %dma_wait3A_61] : memref<10112x128xf32, #tpu.memory_space<hbm>> -> memref<128x128xf32, #tpu.memory_space<hbm>>
    tpu.wait_dma2 semaphore(%arg14 : memref<!tpu.dma_semaphore, #tpu.memory_space<semaphore_mem>>) src(%dma_wait3A_62 : memref<128x128xf32, #tpu.memory_space<hbm>>) dst(%dma_wait3A_59 : memref<128x128xf32, #tpu.memory_space<vmem>>)
    %barrier3A_63 = arith.constant 0 : index
    tpu.barrier barrier_id(%barrier3A_63)
    "tpu.region"() ({
      %run_scoped3A = tpu.sem_alloc : memref<!tpu.dma_semaphore, #tpu.memory_space<semaphore_mem>>
      %dma_start3A = arith.constant 0 : i32
      %dma_start3A_64 = tpu.memref_slice %arg6[%arg0, %mul3A_0, %dma_start3A] : memref<2x10112x128xf32, #tpu.memory_space<hbm>> -> memref<1x632x128xf32, #tpu.memory_space<hbm>>
      %dma_start3A_65 = tpu.memref_squeeze %dma_start3A_64 : memref<1x632x128xf32, #tpu.memory_space<hbm>> -> memref<632x128xf32, #tpu.memory_space<hbm>>
      %dma_start3A_66 = arith.constant 0 : i32
      %dma_start3A_67 = tpu.memref_slice %arg10[%mul3A_0, %dma_start3A_66] : memref<10112x128xf32, #tpu.memory_space<vmem_shared>> -> memref<632x128xf32, #tpu.memory_space<vmem_shared>>
      tpu.enqueue_dma source(%dma_start3A_67 : memref<632x128xf32, #tpu.memory_space<vmem_shared>>) target(%dma_start3A_65 : memref<632x128xf32, #tpu.memory_space<hbm>>) target_semaphore(%run_scoped3A : memref<!tpu.dma_semaphore, #tpu.memory_space<semaphore_mem>>)
      %dma_wait3A_68 = arith.constant 0 : i32
      %dma_wait3A_69 = tpu.memref_slice %arg6[%arg0, %mul3A_0, %dma_wait3A_68] : memref<2x10112x128xf32, #tpu.memory_space<hbm>> -> memref<1x632x128xf32, #tpu.memory_space<hbm>>
      %dma_wait3A_70 = tpu.memref_squeeze %dma_wait3A_69 : memref<1x632x128xf32, #tpu.memory_space<hbm>> -> memref<632x128xf32, #tpu.memory_space<hbm>>
      %dma_wait3A_71 = arith.constant 0 : i32
      %dma_wait3A_72 = tpu.memref_slice %arg10[%mul3A_0, %dma_wait3A_71] : memref<10112x128xf32, #tpu.memory_space<vmem_shared>> -> memref<632x128xf32, #tpu.memory_space<vmem_shared>>
      tpu.wait_dma2 semaphore(%run_scoped3A : memref<!tpu.dma_semaphore, #tpu.memory_space<semaphore_mem>>) src(%dma_wait3A_72 : memref<632x128xf32, #tpu.memory_space<vmem_shared>>) dst(%dma_wait3A_70 : memref<632x128xf32, #tpu.memory_space<hbm>>)
      tpu.yield
    }) : () -> ()
    return
  }
}

module attributes {stable_mosaic.version = 14 : i64} {
  func.func @_dis_body(%arg0: memref<32x79x128xf32, #tpu.memory_space<vmem>>, %arg1: memref<79x128xf32, #tpu.memory_space<vmem>>) attributes {dimension_semantics = [], scalar_prefetch = 0 : i64, scratch_operands = 0 : i64, tpu.core_type = #tpu.core_type<tc>} {
    %get3A = arith.constant 0 : index
    %get3A_0 = arith.constant 0 : index
    %get3A_1 = arith.constant 0 : index
    %get3A_2 = vector.load %arg0[%get3A, %get3A_0, %get3A_1] : memref<32x79x128xf32, #tpu.memory_space<vmem>>, vector<32x79x128xf32>
    %reduce_sum3A = arith.constant dense<0.000000e+00> : vector<79x128xf32>
    %reduce_sum3A_3 = vector.multi_reduction <add>, %get3A_2, %reduce_sum3A [0] : vector<32x79x128xf32> to vector<79x128xf32>
    %add3A = arith.constant 1.000000e+00 : f32
    %add3A_4 = vector.broadcast %add3A : f32 to vector<79x128xf32>
    %add3A_5 = arith.addf %add3A_4, %reduce_sum3A_3 : vector<79x128xf32>
    %rsqrt3A = math.rsqrt %add3A_5 : vector<79x128xf32>
    %swap3A = arith.constant 0 : index
    %swap3A_6 = arith.constant 0 : index
    %swap3A_7 = vector.load %arg1[%swap3A, %swap3A_6] : memref<79x128xf32, #tpu.memory_space<vmem>>, vector<79x128xf32>
    tpu.vector_store %arg1[%swap3A, %swap3A_6], %rsqrt3A {strides = array<i32>} : memref<79x128xf32, #tpu.memory_space<vmem>>, vector<79x128xf32>,
    return
  }
}

module attributes {stable_mosaic.version = 14 : i64} {
  func.func @_t1_body(%arg0: i32, %arg1: memref<1000x128xf32, #tpu.memory_space<vmem>>, %arg2: memref<1x128xf32, #tpu.memory_space<vmem>>, %arg3: memref<128x128xf32, #tpu.memory_space<vmem>>, %arg4: memref<1000x1xf32, #tpu.memory_space<vmem>>, %arg5: memref<1000x128xf32, #tpu.memory_space<vmem>>) attributes {dimension_semantics = [#tpu.dimension_semantics<arbitrary>], iteration_bounds = array<i64: 10>, scalar_prefetch = 0 : i64, scratch_operands = 0 : i64, tpu.core_type = #tpu.core_type<tc>, window_params = [{transform_indices = @transform_0, window_bounds = array<i64: 1000, 128>}, {pipeline_mode = #tpu.pipeline_mode<synchronous>, transform_indices = @transform_1, window_bounds = array<i64: 1, 128>}, {pipeline_mode = #tpu.pipeline_mode<synchronous>, transform_indices = @transform_2, window_bounds = array<i64: 128, 128>}, {transform_indices = @transform_3, window_bounds = array<i64: 1000, 1>}, {transform_indices = @transform_4, window_bounds = array<i64: 1000, 128>}]} {
    %get3A = arith.constant 0 : index
    %get3A_0 = arith.constant 0 : index
    %get3A_1 = vector.load %arg1[%get3A, %get3A_0] : memref<1000x128xf32, #tpu.memory_space<vmem>>, vector<1000x128xf32>
    %get3A_2 = arith.constant 0 : index
    %get3A_3 = arith.constant 0 : index
    %get3A_4 = vector.load %arg2[%get3A_2, %get3A_3] : memref<1x128xf32, #tpu.memory_space<vmem>>, vector<1x128xf32>
    %logistic3A = arith.negf %get3A_4 : vector<1x128xf32>
    %logistic3A_5 = math.exp %logistic3A : vector<1x128xf32>
    %logistic3A_6 = arith.constant 1.000000e+00 : f32
    %logistic3A_7 = vector.broadcast %logistic3A_6 : f32 to vector<1x128xf32>
    %logistic3A_8 = arith.addf %logistic3A_7, %logistic3A_5 : vector<1x128xf32>
    %logistic3A_9 = arith.divf %logistic3A_7, %logistic3A_8 : vector<1x128xf32>
    %mul3A = vector.broadcast %logistic3A_9 : vector<1x128xf32> to vector<1000x128xf32>
    %mul3A_10 = arith.mulf %get3A_1, %mul3A : vector<1000x128xf32>
    %get3A_11 = arith.constant 0 : index
    %get3A_12 = arith.constant 0 : index
    %get3A_13 = vector.load %arg3[%get3A_11, %get3A_12] : memref<128x128xf32, #tpu.memory_space<vmem>>, vector<128x128xf32>
    %dot_general3A = arith.constant dense<0.000000e+00> : vector<1000x128xf32>
    %dot_general3A_14 = tpu.matmul %mul3A_10, %get3A_13, %dot_general3A {dimension_numbers = #tpu.dot_dimension_numbers<[1], [0], [0], [1], [0, 0, 1, 1], [], []>, transpose_lhs_hint = false} : vector<1000x128xf32>, vector<128x128xf32>, vector<1000x128xf32> -> vector<1000x128xf32>
    %get3A_15 = arith.constant 0 : index
    %get3A_16 = arith.constant 0 : index
    %get3A_17 = vector.load %arg4[%get3A_15, %get3A_16] : memref<1000x1xf32, #tpu.memory_space<vmem>>, vector<1000x1xf32>
    %mul3A_18 = vector.broadcast %get3A_17 : vector<1000x1xf32> to vector<1000x128xf32>
    %mul3A_19 = arith.mulf %dot_general3A_14, %mul3A_18 : vector<1000x128xf32>
    %swap3A = arith.constant 0 : index
    %swap3A_20 = arith.constant 0 : index
    %swap3A_21 = vector.load %arg5[%swap3A, %swap3A_20] : memref<1000x128xf32, #tpu.memory_space<vmem>>, vector<1000x128xf32>
    tpu.vector_store %arg5[%swap3A, %swap3A_20], %mul3A_19 {strides = array<i32>} : memref<1000x128xf32, #tpu.memory_space<vmem>>, vector<1000x128xf32>,
    return
  }
  func.func @transform_0(%arg0: i32) -> (i32, i32) {
    %c0_i32 = arith.constant 0 : i32
    %c0_i32_0 = arith.constant 0 : i32
    return %arg0, %c0_i32 : i32, i32
  }
  func.func @transform_1(%arg0: i32) -> (i32, i32) {
    %c0_i32 = arith.constant 0 : i32
    %c0_i32_0 = arith.constant 0 : i32
    %c0_i32_1 = arith.constant 0 : i32
    return %c0_i32, %c0_i32_0 : i32, i32
  }
  func.func @transform_2(%arg0: i32) -> (i32, i32) {
    %c0_i32 = arith.constant 0 : i32
    %c0_i32_0 = arith.constant 0 : i32
    %c0_i32_1 = arith.constant 0 : i32
    return %c0_i32, %c0_i32_0 : i32, i32
  }
  func.func @transform_3(%arg0: i32) -> (i32, i32) {
    %c0_i32 = arith.constant 0 : i32
    %c0_i32_0 = arith.constant 0 : i32
    return %arg0, %c0_i32 : i32, i32
  }
  func.func @transform_4(%arg0: i32) -> (i32, i32) {
    %c0_i32 = arith.constant 0 : i32
    %c0_i32_0 = arith.constant 0 : i32
    return %arg0, %c0_i32 : i32, i32
  }
}

module attributes {stable_mosaic.version = 14 : i64} {
  func.func @_t2_body(%arg0: i32, %arg1: memref<2x1000x128xf32, #tpu.memory_space<vmem>>, %arg2: memref<1000x128xf32, #tpu.memory_space<vmem>>, %arg3: memref<1000x1xf32, #tpu.memory_space<vmem>>, %arg4: memref<1x128xf32, #tpu.memory_space<vmem>>, %arg5: memref<128x128xf32, #tpu.memory_space<vmem>>, %arg6: memref<1000x128xf32, #tpu.memory_space<vmem>>) attributes {dimension_semantics = [#tpu.dimension_semantics<arbitrary>], iteration_bounds = array<i64: 10>, scalar_prefetch = 0 : i64, scratch_operands = 0 : i64, tpu.core_type = #tpu.core_type<tc>, window_params = [{transform_indices = @transform_0, window_bounds = array<i64: 2, 1000, 128>}, {transform_indices = @transform_1, window_bounds = array<i64: 1000, 128>}, {transform_indices = @transform_2, window_bounds = array<i64: 1000, 1>}, {pipeline_mode = #tpu.pipeline_mode<synchronous>, transform_indices = @transform_3, window_bounds = array<i64: 1, 128>}, {pipeline_mode = #tpu.pipeline_mode<synchronous>, transform_indices = @transform_4, window_bounds = array<i64: 128, 128>}, {transform_indices = @transform_5, window_bounds = array<i64: 1000, 128>}]} {
    %get3A = arith.constant 0 : index
    %get3A_0 = arith.constant 0 : index
    %get3A_1 = vector.load %arg3[%get3A, %get3A_0] : memref<1000x1xf32, #tpu.memory_space<vmem>>, vector<1000x1xf32>
    %get3A_2 = arith.constant 0 : index
    %get3A_3 = arith.constant 0 : index
    %get3A_4 = arith.constant 0 : index
    %get3A_5 = vector.load %arg1[%get3A_2, %get3A_3, %get3A_4] : memref<2x1000x128xf32, #tpu.memory_space<vmem>>, vector<1x1000x128xf32>
    %get3A_6 = vector.shape_cast %get3A_5 : vector<1x1000x128xf32> to vector<1000x128xf32>
    %get3A_7 = arith.constant 1 : index
    %get3A_8 = arith.constant 0 : index
    %get3A_9 = arith.constant 0 : index
    %get3A_10 = vector.load %arg1[%get3A_7, %get3A_8, %get3A_9] : memref<2x1000x128xf32, #tpu.memory_space<vmem>>, vector<1x1000x128xf32>
    %get3A_11 = vector.shape_cast %get3A_10 : vector<1x1000x128xf32> to vector<1000x128xf32>
    %add3A = arith.addf %get3A_6, %get3A_11 : vector<1000x128xf32>
    %get3A_12 = arith.constant 0 : index
    %get3A_13 = arith.constant 0 : index
    %get3A_14 = vector.load %arg2[%get3A_12, %get3A_13] : memref<1000x128xf32, #tpu.memory_space<vmem>>, vector<1000x128xf32>
    %add3A_15 = arith.addf %add3A, %get3A_14 : vector<1000x128xf32>
    %mul3A = vector.broadcast %get3A_1 : vector<1000x1xf32> to vector<1000x128xf32>
    %mul3A_16 = arith.mulf %mul3A, %add3A_15 : vector<1000x128xf32>
    %get3A_17 = arith.constant 0 : index
    %get3A_18 = arith.constant 0 : index
    %get3A_19 = vector.load %arg4[%get3A_17, %get3A_18] : memref<1x128xf32, #tpu.memory_space<vmem>>, vector<1x128xf32>
    %add3A_20 = vector.broadcast %get3A_19 : vector<1x128xf32> to vector<1000x128xf32>
    %add3A_21 = arith.addf %mul3A_16, %add3A_20 : vector<1000x128xf32>
    %max3A = arith.constant 0.000000e+00 : f32
    %max3A_22 = vector.broadcast %max3A : f32 to vector<1000x128xf32>
    %max3A_23 = arith.maximumf %add3A_21, %max3A_22 : vector<1000x128xf32>
    %get3A_24 = arith.constant 0 : index
    %get3A_25 = arith.constant 0 : index
    %get3A_26 = vector.load %arg5[%get3A_24, %get3A_25] : memref<128x128xf32, #tpu.memory_space<vmem>>, vector<128x128xf32>
    %dot_general3A = arith.constant dense<0.000000e+00> : vector<1000x128xf32>
    %dot_general3A_27 = tpu.matmul %max3A_23, %get3A_26, %dot_general3A {dimension_numbers = #tpu.dot_dimension_numbers<[1], [0], [0], [1], [0, 0, 1, 1], [], []>, transpose_lhs_hint = false} : vector<1000x128xf32>, vector<128x128xf32>, vector<1000x128xf32> -> vector<1000x128xf32>
    %mul3A_28 = vector.broadcast %get3A_1 : vector<1000x1xf32> to vector<1000x128xf32>
    %mul3A_29 = arith.mulf %dot_general3A_27, %mul3A_28 : vector<1000x128xf32>
    %swap3A = arith.constant 0 : index
    %swap3A_30 = arith.constant 0 : index
    %swap3A_31 = vector.load %arg6[%swap3A, %swap3A_30] : memref<1000x128xf32, #tpu.memory_space<vmem>>, vector<1000x128xf32>
    tpu.vector_store %arg6[%swap3A, %swap3A_30], %mul3A_29 {strides = array<i32>} : memref<1000x128xf32, #tpu.memory_space<vmem>>, vector<1000x128xf32>,
    return
  }
  func.func @transform_0(%arg0: i32) -> (i32, i32, i32) {
    %c0_i32 = arith.constant 0 : i32
    %c0_i32_0 = arith.constant 0 : i32
    %c0_i32_1 = arith.constant 0 : i32
    return %c0_i32, %arg0, %c0_i32_0 : i32, i32, i32
  }
  func.func @transform_1(%arg0: i32) -> (i32, i32) {
    %c0_i32 = arith.constant 0 : i32
    %c0_i32_0 = arith.constant 0 : i32
    return %arg0, %c0_i32 : i32, i32
  }
  func.func @transform_2(%arg0: i32) -> (i32, i32) {
    %c0_i32 = arith.constant 0 : i32
    %c0_i32_0 = arith.constant 0 : i32
    return %arg0, %c0_i32 : i32, i32
  }
  func.func @transform_3(%arg0: i32) -> (i32, i32) {
    %c0_i32 = arith.constant 0 : i32
    %c0_i32_0 = arith.constant 0 : i32
    %c0_i32_1 = arith.constant 0 : i32
    return %c0_i32, %c0_i32_0 : i32, i32
  }
  func.func @transform_4(%arg0: i32) -> (i32, i32) {
    %c0_i32 = arith.constant 0 : i32
    %c0_i32_0 = arith.constant 0 : i32
    %c0_i32_1 = arith.constant 0 : i32
    return %c0_i32, %c0_i32_0 : i32, i32
  }
  func.func @transform_5(%arg0: i32) -> (i32, i32) {
    %c0_i32 = arith.constant 0 : i32
    %c0_i32_0 = arith.constant 0 : i32
    return %arg0, %c0_i32 : i32, i32
  }
}

module attributes {stable_mosaic.version = 14 : i64} {
  func.func @_t3_body(%arg0: i32, %arg1: memref<2x1000x128xf32, #tpu.memory_space<vmem>>, %arg2: memref<1000x128xf32, #tpu.memory_space<vmem>>, %arg3: memref<1000x1xf32, #tpu.memory_space<vmem>>, %arg4: memref<1x128xf32, #tpu.memory_space<vmem>>, %arg5: memref<128x128xf32, #tpu.memory_space<vmem>>, %arg6: memref<1x128xf32, #tpu.memory_space<vmem>>, %arg7: memref<1000x128xf32, #tpu.memory_space<vmem>>) attributes {dimension_semantics = [#tpu.dimension_semantics<arbitrary>], iteration_bounds = array<i64: 10>, scalar_prefetch = 0 : i64, scratch_operands = 0 : i64, tpu.core_type = #tpu.core_type<tc>, window_params = [{transform_indices = @transform_0, window_bounds = array<i64: 2, 1000, 128>}, {transform_indices = @transform_1, window_bounds = array<i64: 1000, 128>}, {transform_indices = @transform_2, window_bounds = array<i64: 1000, 1>}, {pipeline_mode = #tpu.pipeline_mode<synchronous>, transform_indices = @transform_3, window_bounds = array<i64: 1, 128>}, {pipeline_mode = #tpu.pipeline_mode<synchronous>, transform_indices = @transform_4, window_bounds = array<i64: 128, 128>}, {pipeline_mode = #tpu.pipeline_mode<synchronous>, transform_indices = @transform_5, window_bounds = array<i64: 1, 128>}, {transform_indices = @transform_6, window_bounds = array<i64: 1000, 128>}]} {
    %get3A = arith.constant 0 : index
    %get3A_0 = arith.constant 0 : index
    %get3A_1 = vector.load %arg3[%get3A, %get3A_0] : memref<1000x1xf32, #tpu.memory_space<vmem>>, vector<1000x1xf32>
    %get3A_2 = arith.constant 0 : index
    %get3A_3 = arith.constant 0 : index
    %get3A_4 = arith.constant 0 : index
    %get3A_5 = vector.load %arg1[%get3A_2, %get3A_3, %get3A_4] : memref<2x1000x128xf32, #tpu.memory_space<vmem>>, vector<1x1000x128xf32>
    %get3A_6 = vector.shape_cast %get3A_5 : vector<1x1000x128xf32> to vector<1000x128xf32>
    %get3A_7 = arith.constant 1 : index
    %get3A_8 = arith.constant 0 : index
    %get3A_9 = arith.constant 0 : index
    %get3A_10 = vector.load %arg1[%get3A_7, %get3A_8, %get3A_9] : memref<2x1000x128xf32, #tpu.memory_space<vmem>>, vector<1x1000x128xf32>
    %get3A_11 = vector.shape_cast %get3A_10 : vector<1x1000x128xf32> to vector<1000x128xf32>
    %add3A = arith.addf %get3A_6, %get3A_11 : vector<1000x128xf32>
    %get3A_12 = arith.constant 0 : index
    %get3A_13 = arith.constant 0 : index
    %get3A_14 = vector.load %arg2[%get3A_12, %get3A_13] : memref<1000x128xf32, #tpu.memory_space<vmem>>, vector<1000x128xf32>
    %add3A_15 = arith.addf %add3A, %get3A_14 : vector<1000x128xf32>
    %mul3A = vector.broadcast %get3A_1 : vector<1000x1xf32> to vector<1000x128xf32>
    %mul3A_16 = arith.mulf %mul3A, %add3A_15 : vector<1000x128xf32>
    %get3A_17 = arith.constant 0 : index
    %get3A_18 = arith.constant 0 : index
    %get3A_19 = vector.load %arg4[%get3A_17, %get3A_18] : memref<1x128xf32, #tpu.memory_space<vmem>>, vector<1x128xf32>
    %add3A_20 = vector.broadcast %get3A_19 : vector<1x128xf32> to vector<1000x128xf32>
    %add3A_21 = arith.addf %mul3A_16, %add3A_20 : vector<1000x128xf32>
    %get3A_22 = arith.constant 0 : index
    %get3A_23 = arith.constant 0 : index
    %get3A_24 = vector.load %arg5[%get3A_22, %get3A_23] : memref<128x128xf32, #tpu.memory_space<vmem>>, vector<128x128xf32>
    %dot_general3A = arith.constant dense<0.000000e+00> : vector<1000x128xf32>
    %dot_general3A_25 = tpu.matmul %add3A_21, %get3A_24, %dot_general3A {dimension_numbers = #tpu.dot_dimension_numbers<[1], [0], [0], [1], [0, 0, 1, 1], [], []>, transpose_lhs_hint = false} : vector<1000x128xf32>, vector<128x128xf32>, vector<1000x128xf32> -> vector<1000x128xf32>
    %get3A_26 = arith.constant 0 : index
    %get3A_27 = arith.constant 0 : index
    %get3A_28 = vector.load %arg6[%get3A_26, %get3A_27] : memref<1x128xf32, #tpu.memory_space<vmem>>, vector<1x128xf32>
    %add3A_29 = vector.broadcast %get3A_28 : vector<1x128xf32> to vector<1000x128xf32>
    %add3A_30 = arith.addf %dot_general3A_25, %add3A_29 : vector<1000x128xf32>
    %swap3A = arith.constant 0 : index
    %swap3A_31 = arith.constant 0 : index
    %swap3A_32 = vector.load %arg7[%swap3A, %swap3A_31] : memref<1000x128xf32, #tpu.memory_space<vmem>>, vector<1000x128xf32>
    tpu.vector_store %arg7[%swap3A, %swap3A_31], %add3A_30 {strides = array<i32>} : memref<1000x128xf32, #tpu.memory_space<vmem>>, vector<1000x128xf32>,
    return
  }
  func.func @transform_0(%arg0: i32) -> (i32, i32, i32) {
    %c0_i32 = arith.constant 0 : i32
    %c0_i32_0 = arith.constant 0 : i32
    %c0_i32_1 = arith.constant 0 : i32
    return %c0_i32, %arg0, %c0_i32_0 : i32, i32, i32
  }
  func.func @transform_1(%arg0: i32) -> (i32, i32) {
    %c0_i32 = arith.constant 0 : i32
    %c0_i32_0 = arith.constant 0 : i32
    return %arg0, %c0_i32 : i32, i32
  }
  func.func @transform_2(%arg0: i32) -> (i32, i32) {
    %c0_i32 = arith.constant 0 : i32
    %c0_i32_0 = arith.constant 0 : i32
    return %arg0, %c0_i32 : i32, i32
  }
  func.func @transform_3(%arg0: i32) -> (i32, i32) {
    %c0_i32 = arith.constant 0 : i32
    %c0_i32_0 = arith.constant 0 : i32
    %c0_i32_1 = arith.constant 0 : i32
    return %c0_i32, %c0_i32_0 : i32, i32
  }
  func.func @transform_4(%arg0: i32) -> (i32, i32) {
    %c0_i32 = arith.constant 0 : i32
    %c0_i32_0 = arith.constant 0 : i32
    %c0_i32_1 = arith.constant 0 : i32
    return %c0_i32, %c0_i32_0 : i32, i32
  }
  func.func @transform_5(%arg0: i32) -> (i32, i32) {
    %c0_i32 = arith.constant 0 : i32
    %c0_i32_0 = arith.constant 0 : i32
    %c0_i32_1 = arith.constant 0 : i32
    return %c0_i32, %c0_i32_0 : i32, i32
  }
  func.func @transform_6(%arg0: i32) -> (i32, i32) {
    %c0_i32 = arith.constant 0 : i32
    %c0_i32_0 = arith.constant 0 : i32
    return %arg0, %c0_i32 : i32, i32
  }
}

</mosaic_0001>

<sc_bundles>
// kernel: kernel.12.cloned.1.call-start
scs
__scs_entry_jumppad:
0x0: {  	(pc) =	sbr.rel $0x88, $3  }
0x1: {  	(tag) =	ssettag $0x0;
	lr =	simm.s32 $0x1  }
0x2: {  	[smem:$0x3F98] =	sst lr;
	_ =	strace $0xD0000000  }
0x3: {  	_ = 	snop  }
0x4: {  	_ = 	snop  }
0x5: {  	_ = 	snop  }
0x6: {  	_ = 	snop  }
0x7: {  	_ = 	snop  }
__scs_overlays_trampoline_lowered:
0x8: {  	[smem:$0x3FA7] =	sst s0  }
0x9: {  	[smem:$0x3FA8] =	sst s1  }
0xa: {  	[smem:$0x3FA9] =	sst s2  }
0xb: {  	[smem:$0x3FAA] =	sst s3  }
0xc: {  	[smem:$0x3FAB] =	sst s4  }
0xd: {  	[smem:$0x3FAC] =	sst s5  }
0xe: {  	[smem:$0x3FAD] =	sst s6  }
0xf: {  	[smem:$0x3FAE] =	sst s7  }
0x10: {  	[smem:$0x3FAF] =	sst s8  }
0x11: {  	[smem:$0x3FB0] =	sst s9;
	s0 =	simm.s32 @!p0 $0x0  }
0x12: {  	s1 =	sld [smem:$0x3F96];
	s0 =	simm.s32 @p0 $0x1  }
0x13: {  	[smem:$0x3FB1] =	sst s0;
	s0 =	simm.s32 @!p1 $0x0  }
0x14: {  	s2 =	sld [smem:$0x3F95];
	s0 =	simm.s32 @p1 $0x1  }
0x15: {  	[smem:$0x3FB2] =	sst s0;
	s0 =	simm.s32 @!p2 $0x0  }
0x16: {  	s3 =	sld [smem:$0x3FDB];
	s0 =	simm.s32 @p2 $0x1  }
0x17: {  	s4 =	simm.s32 $0x1BF5;
	[smem:$0x3FB4] =	sst s0  }
0x18: {  	s0 =	sld [smem:$0x3F97];
	_ =	swait.ge [sflag:s4], $0x0  }
0x19: {  	s7 =	sld [smem:$0x3F98]  }
0x1a: {  	s8 =	sadd.s32 $0xFFFFE003, lr  }
0x1b: {  	s9 =	sadd.s32 $0xFFFFFEF7, lr;
	s5 =	simm.s32 $0xFFFFFFFF;
	p2 =	slt.u32 s8, $0xFFFFF086  }
0x1c: {  	p1 =	slt.u32 s9, $0xF7A;
	s5 =	simm.s32 @!p2 $0x0  }
0x1d: {  	s5 =	simm.s32 @p1 $0x1;
	p0 =	seq.s32 s7, s2  }
0x1e: {  	s7 =	smul.u32 @!p0 $0xF7A, s2;
	p2 =	seq.s32 @!p0 s5, $0x0  }
0x1f: {  	s9 =	smul.u32 $0xF7A, s1;
	s8 =	simm.s32 @!p0 $0x1BF5;
	p2 =	por !p2, p0  }
0x20: {  	[sflag:s8] =	ssyncset.s32 @!p0 $0xFFFFF086;
	s6 =	sadd.s32 @!p0 s3, s7;
	s7 =	simm.s32 @!p0 $0x108  }
0x21: {  	s3 =	sadd.s32 s3, s9;
	s6 =	sadd.s32 @!p0 $0x88, s6;
	s7 =	simm.s32 @p2 $0x1082  }
0x22: {  	[simem:s7], [sflag:s8] =	dma.local @!p0 [hbm:s6], $0xF7A  }
0x23: {  	s9 =	sor.u32 $0xD0000000, s2;
	s6 =	simm.s32 $0x108;
	_ =	swait.ge @!p0 [sflag:s8], $0x0  }
0x24: {  	s3 =	sadd.s32 $0x88, s3;
	s6 =	simm.s32 @!p1 $0x1082;
	[sflag:s4] =	ssyncset.s32 $0xFFFFF086  }
0x25: {  	[simem:s6], [sflag:s4] =	dma.local [hbm:s3], $0xF7A  }
0x26: {  	[smem:$0x3F98] =	sst s1;
	(tag) =	ssettag s2;
	_ =	strace s9  }
0x27: {  	s1 =	sld [smem:$0x3FA8]  }
0x28: {  	s2 =	sld [smem:$0x3FA9]  }
0x29: {  	s4 =	sld [smem:$0x3FAB]  }
0x2a: {  	p0 =	seq.s32 s5, $0x0;
	s5 =	sld [smem:$0x3FAC]  }
0x2b: {  	s6 =	sld [smem:$0x3FAD]  }
0x2c: {  	s7 =	sld [smem:$0x3FAE]  }
0x2d: {  	s3 =	simm.s32 $0x108;
	s8 =	sld [smem:$0x3FAF]  }
0x2e: {  	s3 =	simm.s32 @!p0 $0x1082;
	s9 =	sld [smem:$0x3FB0]  }
0x2f: {  	lr =	sadd.s32 s0, s3;
	s0 =	sld [smem:$0x3FA7]  }
0x30: {  	s3 =	sld [smem:$0x3FAA]  }
0x31: {  	[smem:$0x3FB3] =	sst s10  }
0x32: {  	s10 =	sld [smem:$0x3FB1];
	_ =	sdelay $0x3  }
0x33: {  	p0 =	seq.s32 s10, $0x1;
	s10 =	sld [smem:$0x3FB3];
	_ =	sdelay $0x3  }
0x34: {  	[smem:$0x3FB3] =	sst s10  }
0x35: {  	s10 =	sld [smem:$0x3FB2];
	_ =	sdelay $0x3  }
0x36: {  	p1 =	seq.s32 s10, $0x1;
	s10 =	sld [smem:$0x3FB3];
	_ =	sdelay $0x3  }
0x37: {  	[smem:$0x3FB3] =	sst s10  }
0x38: {  	s10 =	sld [smem:$0x3FB4]  }
0x39: {  	_ = 	snop;
	(pc) =	sbr.ind lr, $3  }
0x3a: {  	_ = 	snop  }
0x3b: {  	_ = 	snop  }
0x3c: {  	p2 =	seq.s32 s10, $0x1;
	s10 =	sld [smem:$0x3FB3]  }
0x3d: {  	_ =	shalt  }
0x3e: {  	_ =	shalt  }
0x3f: {  	_ =	shalt  }
0x40: {  	_ =	shalt  }
0x41: {  	_ =	shalt  }
0x42: {  	_ =	shalt  }
0x43: {  	_ =	shalt  }
0x44: {  	_ =	shalt  }
0x45: {  	_ =	shalt  }
0x46: {  	_ =	shalt  }
0x47: {  	_ =	shalt  }
0x48: {  	_ =	shalt  }
0x49: {  	_ =	shalt  }
0x4a: {  	_ =	shalt  }
0x4b: {  	_ =	shalt  }
0x4c: {  	_ =	shalt  }
0x4d: {  	_ =	shalt  }
0x4e: {  	_ =	shalt  }
0x4f: {  	_ =	shalt  }
0x50: {  	_ =	shalt  }
0x51: {  	_ =	shalt  }
0x52: {  	_ =	shalt  }
0x53: {  	_ =	shalt  }
0x54: {  	_ =	shalt  }
0x55: {  	_ =	shalt  }
0x56: {  	_ =	shalt  }
0x57: {  	_ =	shalt  }
0x58: {  	_ =	shalt  }
0x59: {  	_ =	shalt  }
0x5a: {  	_ =	shalt  }
0x5b: {  	_ =	shalt  }
0x5c: {  	_ =	shalt  }
0x5d: {  	_ =	shalt  }
0x5e: {  	_ =	shalt  }
0x5f: {  	_ =	shalt  }
0x60: {  	_ =	shalt  }
0x61: {  	_ =	shalt  }
0x62: {  	_ =	shalt  }
0x63: {  	_ =	shalt  }
0x64: {  	_ =	shalt  }
0x65: {  	_ =	shalt  }
0x66: {  	_ =	shalt  }
0x67: {  	_ =	shalt  }
0x68: {  	_ =	shalt  }
0x69: {  	_ =	shalt  }
0x6a: {  	_ =	shalt  }
0x6b: {  	_ =	shalt  }
0x6c: {  	_ =	shalt  }
0x6d: {  	_ =	shalt  }
0x6e: {  	_ =	shalt  }
0x6f: {  	_ =	shalt  }
0x70: {  	_ =	shalt  }
0x71: {  	_ =	shalt  }
0x72: {  	_ =	shalt  }
0x73: {  	_ =	shalt  }
0x74: {  	_ =	shalt  }
0x75: {  	_ =	shalt  }
0x76: {  	_ =	shalt  }
0x77: {  	_ =	shalt  }
0x78: {  	_ =	shalt  }
0x79: {  	_ =	shalt  }
0x7a: {  	_ =	shalt  }
0x7b: {  	_ =	shalt  }
0x7c: {  	_ =	shalt  }
0x7d: {  	_ =	shalt  }
0x7e: {  	_ =	shalt  }
0x7f: {  	_ =	shalt  }
0x80: {  	_ =	shalt  }
0x81: {  	_ =	shalt  }
0x82: {  	_ =	shalt  }
0x83: {  	_ =	shalt  }
0x84: {  	_ =	shalt  }
0x85: {  	_ =	shalt  }
0x86: {  	_ =	shalt  }
0x87: {  	_ =	shalt  }
.Lfunc_end0:
.L_simem_size_0:
called_computation.1_lowered:
.L_overlay_start_0:
0x88: {  	s2 =	sld [smem:$0x3FD9]  }
0x89: {  	s3 =	sld [smem:$0x3FFE];
	_ =	sdelay $0x1  }
0x8a: {  	s1 =	srdreg.scid  }
0x8b: {  	s0 =	sand.u32 $0x1, s1  }
0x8c: {  	s16 =	sshll.u32 s0, $0xA;
	s2 =	sadd.s32 s3, s2  }
0x8d: {  	s2 =	sadd.s32 s2, s16  }
0x8e: {  	[smem:$0x3FBF] =	sst s2  }
0x8f: {  	_ = 	snop  }
0x90: {  	(tm) =	ssettm $0x1  }
0x91: {  	s17 =	sld [smem:$0x3FFB];
	_ =	sdelay $0x3  }
0x92: {  	_ =	strace s17  }
0x93: {  	s2 =	sld [smem:$0x3FFC];
	_ =	sdelay $0x3  }
0x94: {  	_ =	strace s2  }
0x95: {  	s2 =	sld [smem:$0x3FFD];
	_ =	sdelay $0x3  }
0x96: {  	_ =	strace s2  }
0x97: {  	_ =	strace $0x8FFFFFFF  }
0x98: {  	s18 =	sld [smem:$0x3FDB];
	_ =	sdelay $0x1  }
0x99: {  	s19 =	simm.s32 $_scs_section_size  }
0x9a: {  	s4 =	simm.s32 $_size__tile_overlayer_lowered;
	s5 =	simm.s32 $_tile_overlayer_lowered  }
0x9b: {  	s22 =	simm.s32 $0x1BFF;
	s21 =	sshll.u32 s5, $0x1;
	s2 =	sadd.s32 s19, s18  }
0x9c: {  	s6 =	simm.s32 $0x0;
	s20 =	sshll.u32 s4, $0x1;
	s4 =	sadd.s32 s21, s2  }
0x9d: {  	[timem:s6], [sflag:s22] =	dma.local [hbm:s4], s20  }
0x9e: {  	_ =	swait.ge [sflag:s22], s20  }
0x9f: {  	s3 =	ssub.s32 $0x0, s20;
	[sflag:s22] =	ssyncset.done $0x0  }
0xa0: {  	[sflag:s22] =	ssyncadd.s32 s3;
	_ =	sdelay $0x1  }
0xa1: {  	s23 =	simm.s32 $0x1B8B  }
0xa2: {  	_ =	swait.ge [sflag:s23], $0x1  }
0xa3: {  	[sflag:s23] =	ssyncset.done $0x0  }
0xa4: {  	s25 =	simm.s32 $0x1B8E;
	s24 =	sld [smem:$0x3FFE];
	[sflag:s23] =	ssyncadd.s32 $0xFFFFFFFF  }
0xa5: {  	s26 =	simm.s32 $execute0_lowered;
	[smem:$0x3FD2] =	sst s25  }
0xa6: {  	s4 =	sshll.u32 s26, $0x1;
	_ =	strace $0x80000049;
	[dreg:$0x1] =	wrdreg $0xFFFFFFFF  }
0xa7: {  	s28 =	simm.s32 $_size_execute0_lowered;
	s2 =	sadd.s32 s2, s4;
	[dreg:$0x0] =	wrdreg $0x0  }
0xa8: {  	s4 =	sshll.u32 s28, $0x1;
	[dreg:$0x2] =	wrdreg s2  }
0xa9: {  	[dreg:$0x3] =	wrdreg s4  }
0xaa: {  	[dreg:$0x4] =	wrdreg $0xC0  }
0xab: {  	_ =	task [dreg:s6], $0x5FFFF  }
0xac: {  	[dreg:$0x1] =	wrdreg $0xFFFFFFFF  }
0xad: {  	[dreg:$0x0] =	wrdreg $0x60  }
0xae: {  	[dreg:$0x2] =	wrdreg s24  }
0xaf: {  	[dreg:$0x3] =	wrdreg $0xC3000  }
0xb0: {  	[dreg:$0x4] =	wrdreg $0x9  }
0xb1: {  	_ =	task.clear_ibuf [dreg:s6], $0x5FFFF;
	_ =	strace $0x90000049  }
0xb2: {  	s29 =	simm.s32 $0x9;
	_ =	strace $0x8000004B  }
0xb3: {  	_ =	swait.ge [sflag:s29], $0x1  }
0xb4: {  	[sflag:s29] =	ssyncadd.s32 $0xFFFFFFFF  }
0xb5: {  	_ =	strace $0x9000004B  }
0xb6: {  	_ =	sfence  }
0xb7: {  	s30 =	sld [smem:$0x0];
	_ =	sdelay $0x2  }
0xb8: {  	s31 =	sshll.u32 s1, $0xD;
	s1 =	sshrl.u32 s1, $0x2  }
0xb9: {  	s3 =	sand.u32 $0x4000, s31;
	s1 =	sadd.s32 s1, s30  }
0xba: {  	s0 =	sor.u32 s3, s0;
	s1 =	sshll.u32 s1, $0x11  }
0xbb: {  	s0 =	sor.u32 s1, s0  }
0xbc: {  	s0 =	sadd.s32 $0x8F2B, s0  }
0xbd: {  	[sflag:s0] =	ssyncadd.remote.s32 $0x1  }
0xbe: {  	_ =	sfence.sel $0xFFFF  }
0xbf: {  	[dreg:$0x0] =	wrdreg $0xFFFFFFFF;
	(pc) =	sbr.abs _section_cstart, $3  }
0xc0: {  	[dreg:$0x1] =	wrdreg $0xFFFFFFFF  }
0xc1: {  	_ =	task.clear_ibuf [dreg:s6], $0x2FFFF;
	_ =	strace $0x9FFFFFFF  }
0xc2: {  	(tm) =	ssettm $0x7FFFFFFF  }
0xc3: {  	_ =	shalt  }
tec
execute0_lowered:
.L_overlay_start_1:
0x0: {  	(tag) =	ssettag $0x1  }
0x1: {  	s0 =	srdreg.scid  }
0x2: {  	s16 =	stileid.u32;
	s1 =	rddreg [dreg:$0x0]  }
0x3: {  	s2 =	rddreg [dreg:$0x1];
	s4 =	smul.u32 $0x9E, s16  }
0x4: {  	s3 =	simm.s32 $0x0;
	s19 =	simm.s32 $0x4200;
	s6 =	smul.u32 $0x13C00, s16  }
0x5: {  	s20 =	simm.s32 $0x80;
	s21 =	simm.s32 $0x4300;
	s12 =	smul.u32 $0x4F000, s16  }
0x6: {  	s28 =	simm.s32 $0x0;
	s0 =	sand.u32 $0x1, s0;
	s15 =	smul.u32 $0x9E0, s16  }
0x7: {  	[smem:$0x7FF] =	sst s3;
	s14 =	sadd.s32 $0xC420, s1;
	s5 =	smul.u32 $0x84, s0  }
0x8: {  	s31 =	sshll.u32 s16, $0x6;
	s16 =	simm.s32 $0x5;
	s7 =	smul.u32 $0x13C000, s0  }
0x9: {  	_ =	strace $0x8000004A;
	s11 =	ssub.s32 $0x2, s0;
	p0 =	seq.s32 s0, $0x0  }
0xa: {  	s0 =	smul.u32 $0x840, s0;
	s17 =	sor.u32 $0x1C05, s31;
	s10 =	sshrl.u32 s6, $0x3  }
0xb: {  	s13 =	sshrl.u32 s11, $0x1;
	s12 =	sshrl.u32 s12, $0x2;
	s5 =	sadd.s32 s5, s4  }
0xc: {  	s4 =	sadd.s32 $0x2A800, s1;
	s6 =	sadd.s32 s6, s7;
	s23 =	sadd.s32 s10, s1  }
0xd: {  	s11 =	ssub.s32 s11, s13;
	s18 =	sadd.s32 s12, s2;
	s15 =	sadd.s32 s0, s15  }
0xe: {  	s8 =	sshll.u32 s5, $0x4;
	s5 =	sadd.s32 $0xC400, s1;
	s6 =	sshrl.u32 s6, $0x3  }
0xf: {  	s7 =	sadd.s32 $0x51A00, s23;
	s30 =	smax.u32 s11, $0x1;
	s18 =	sshrl.u32 s18, $0x3  }
0x10: {  	s9 =	sadd.s32 s8, s1;
	s24 =	sadd.s32 s6, s1;
	[dreg:$0x4] =	wrdreg s7  }
0x11: {  	s6 =	simm.s32 $0x84;
	s10 =	sadd.s32 s5, s8;
	[dreg:$0x6] =	wrdreg s30  }
0x12: {  	s6 =	simm.s32 @!p0 $0x1A;
	s9 =	sadd.s32 $0x20200, s9;
	s29 =	sadd.s32 $0x79200, s24  }
0x13: {  	s12 =	sadd.s32 $0x10, s10;
	[dreg:$0x3] =	wrdreg s9;
	s25 =	sadd.s32 $0x2, s6  }
0x14: {  	s24 =	simm.s32 $0x1;
	[dreg:$0x5] =	wrdreg s29;
	s26 =	sshrl.u32 s25, $0x1  }
0x15: {  	s25 =	simm.s32 $0x3;
	s13 =	sadd.s32 $0xFFFFFFFF, s26;
	s26 =	simm.s32 $0x4  }
.LBB2_1:
0x16: {  	s0 =	rddreg [dreg:$0x3]  }
0x17: {  	[tilespmem:s3], [sflag:$0x5] =	stream.linear.gather [hbm4b:s0+s3], $0x4200, $0x38;
	[tilespmem:$0x1FF00] =	vst v63  }
0x18: {  	_ =	swait.ge [sflag:s16], $0x4200  }
0x19: {  	[sflag:s16] =	ssyncset.done $0x0  }
0x1a: {  	s23 =	rddreg [dreg:$0x4];
	[sflag:s16] =	ssyncadd.s32 $0xFFFFBE00  }
0x1b: {  	[spmem:s18], [sflag:s17] =	dma.local [hbm:s23], $0x2780  }
0x1c: {  	_ =	swait.ge [sflag:s16], $0x2780  }
0x1d: {  	[sflag:s16] =	ssyncset.done $0x0  }
0x1e: {  	[sflag:s16] =	ssyncadd.s32 $0xFFFFD880  }
0x1f: {  	[bflag:$0x0] =	sbarrier.arrive $0xFFFF  }
0x20: {  	[tilespmem:s19], [sflag:$0x1] =	stream.linear.gather [hbm4b:s10+s3], $0x80, $0x38;
	[tilespmem:$0x1FF00] =	vst v63  }
0x21: {  	_ = 	snop  }
0x22: {  	[tilespmem:s21], [sflag:$0x1] =	stream.indirect.gather [hbm4b:s4+s20], $0x80, s3, s20, $0xb8;
	[tilespmem:$0x1FF00] =	vst v63  }
0x23: {  	s30 =	simm.s32 $0x4280  }
0x24: {  	[tilespmem:s30], [sflag:$0x2] =	stream.linear.gather [hbm4b:s12+s3], $0x80, $0x38;
	[tilespmem:$0x1FF00] =	vst v63  }
0x25: {  	s31 =	simm.s32 $0x8300  }
0x26: {  	[tilespmem:s31], [sflag:$0x2] =	stream.indirect.gather [hbm4b:s4+s20], $0x80, s20, s20, $0xb8;
	[tilespmem:$0x1FF00] =	vst v63  }
0x27: {  	s22 =	sadd.s32 $0xFFFFFFFF, s13;
	_ =	swait.ge [sflag:s24], $0x4000  }
0x28: {  	p0 =	sne.s32 s22, $0x0;
	[sflag:s24] =	ssyncset.done $0x0  }
.Ltmp0:
0x29: {  	[sflag:s24] =	ssyncadd.s32 $0xFFFFC000;
	(pc) =	sbr.rel @!p0 .LBB2_2-.Ltmp0, $4  }
0x2a: {  	_ =	swait.ge [sflag:s24], $0x80  }
0x2b: {  	s29 =	simm.s32 $0x100;
	[sflag:s24] =	ssyncset.done $0x0  }
0x2c: {  	s8 =	simm.s32 $0x2;
	p1 =	por $0x0, $0x0;
	[sflag:s24] =	ssyncadd.s32 $0xFFFFFF80  }
0x2d: {  	[spmem:s2] =	stream.indirect.scatter.add.f32 [tilespmem:s21], [sflag:$0x3], $0x80, s19, s20, $0xb8;
	[tilespmem:$0x1FF00] =	vst v63  }
0x2e: {  	p0 =	sle.u32 s6, $0x2  }
0x2f: {  	s0 =	simm.s32 @!p0 $0x3  }
0x30: {  	_ =	swait.ge @!p0 [sflag:s0], $0x4000;
	p0 =	por p0, p0  }
0x31: {  	p2 =	sle.u32 s6, $0x1;
	[sflag:s0] =	ssyncset.done @!p0 $0x0;
	s30 =	simm.s32 @!p0 $0x4200  }
0x32: {  	s1 =	simm.s32 @!p0 $0x0;
	[sflag:s0] =	ssyncadd.s32 @!p0 $0xFFFFC000;
	s0 =	sadd.s32 @!p0 s15, s14  }
0x33: {  	[tilespmem:s30], [sflag:$0x1] =	stream.linear.gather @!p0 [hbm4b:s0+s1], $0x80, $0x38;
	[tilespmem:$0x1FF00] =	vst v63  }
0x34: {  	s7 =	simm.s32 @!p2 $0x2;
	s0 =	simm.s32 @!p0 $0x80;
	s1 =	simm.s32 @!p0 $0x4300  }
0x35: {  	[tilespmem:s1], [sflag:$0x1] =	stream.indirect.gather @!p0 [hbm4b:s4+s0], $0x80, s29, s0, $0xb8;
	[tilespmem:$0x1FF00] =	vst v63  }
0x36: {  	_ =	swait.ge @!p2 [sflag:s7], $0x4000  }
0x37: {  	[sflag:s7] =	ssyncset.done @!p2 $0x0  }
0x38: {  	[sflag:s7] =	ssyncadd.s32 @!p2 $0xFFFFC000  }
0x39: {  	p1 =	sle.u32 s6, $0x3;
	_ =	swait.ge @!p2 [sflag:s7], $0x80  }
0x3a: {  	s8 =	simm.s32 @!p2 $0x4280;
	s23 =	simm.s32 @!p2 $0x8300;
	[sflag:s7] =	ssyncset.done @!p2 $0x0  }
0x3b: {  	s29 =	simm.s32 @!p1 $0x4;
	[sflag:s7] =	ssyncadd.s32 @!p2 $0xFFFFFF80;
	s7 =	simm.s32 @!p2 $0x80  }
0x3c: {  	[spmem:s2] =	stream.indirect.scatter.add.f32 @!p2 [tilespmem:s23], [sflag:$0x4], $0x80, s8, s7, $0xb8;
	[tilespmem:$0x1FF00] =	vst v63  }
0x3d: {  	s7 =	sadd.s32 @!p1 $0x30, s15;
	_ =	swait.ge @!p1 [sflag:s29], $0x4000  }
0x3e: {  	s23 =	simm.s32 @!p1 $0x4280;
	s7 =	sand.u32 @!p1 $0x1FFFFFF0, s7;
	[sflag:s29] =	ssyncset.done @!p1 $0x0  }
0x3f: {  	s7 =	sadd.s32 @!p1 s5, s7;
	[sflag:s29] =	ssyncadd.s32 @!p1 $0xFFFFC000;
	s29 =	simm.s32 @!p1 $0x0  }
0x40: {  	[tilespmem:s23], [sflag:$0x2] =	stream.linear.gather @!p1 [hbm4b:s7+s29], $0x80, $0x38;
	[tilespmem:$0x1FF00] =	vst v63  }
0x41: {  	s8 =	simm.s32 @!p1 $0x8300;
	s23 =	simm.s32 @!p1 $0x180;
	s29 =	simm.s32 @!p1 $0x80  }
0x42: {  	[tilespmem:s8], [sflag:$0x2] =	stream.indirect.gather @!p1 [hbm4b:s4+s29], $0x80, s23, s29, $0xb8;
	[tilespmem:$0x1FF00] =	vst v63  }
0x43: {  	s23 =	sadd.s32 $0xFFFFFFFF, s22  }
0x44: {  	p2 =	sne.s32 s23, $0x0  }
.Ltmp1:
0x45: {  	s7 =	simm.s32 @!p0 $0x1;
	(pc) =	sbr.rel @!p2 .LBB2_5-.Ltmp1, $4  }
0x46: {  	_ =	swait.ge @!p0 [sflag:s7], $0x4000  }
0x47: {  	s31 =	sadd.s32 $0x20, s15;
	[sflag:s7] =	ssyncset.done @!p0 $0x0  }
0x48: {  	s22 =	simm.s32 $0x5;
	s8 =	simm.s32 $0x4;
	[sflag:s7] =	ssyncadd.s32 @!p0 $0xFFFFC000  }
0x49: {  	s29 =	simm.s32 $0x200;
	p1 =	por $0x1, $0x1;
	_ =	swait.ge @!p0 [sflag:s7], $0x80  }
.LBB2_4:
0x4a: {  	s23 =	sadd.s32 $0xFFFFFFFF, s23;
	p3 =	sge.u32 s8, s6;
	[sflag:s7] =	ssyncset.done @!p0 $0x0  }
0x4b: {  	p2 =	sne.s32 s23, $0x0;
	s8 =	simm.s32 @!p3 $0x3;
	[sflag:s7] =	ssyncadd.s32 @!p0 $0xFFFFFF80  }
0x4c: {  	[spmem:s2] =	stream.indirect.scatter.add.f32 @!p0 [tilespmem:s1], [sflag:$0x3], $0x80, s30, s0, $0xb8;
	[tilespmem:$0x1FF00] =	vst v63  }
0x4d: {  	p0 =	por p3, p3;
	_ =	swait.ge @!p3 [sflag:s8], $0x4000  }
0x4e: {  	s7 =	sadd.s32 $0xFFFFFFFE, s22;
	s30 =	simm.s32 @!p0 $0x4200;
	[sflag:s8] =	ssyncset.done @!p0 $0x0  }
0x4f: {  	s0 =	sadd.s32 @!p0 s31, s14;
	s1 =	simm.s32 @!p0 $0x0;
	[sflag:s8] =	ssyncadd.s32 @!p0 $0xFFFFC000  }
0x50: {  	[tilespmem:s30], [sflag:$0x1] =	stream.linear.gather @!p0 [hbm4b:s0+s1], $0x80, $0x38;
	[tilespmem:$0x1FF00] =	vst v63  }
0x51: {  	p4 =	sge.u32 s7, s6;
	s0 =	simm.s32 @!p0 $0x80;
	s1 =	simm.s32 @!p0 $0x4300  }
0x52: {  	[tilespmem:s1], [sflag:$0x1] =	stream.indirect.gather @!p0 [hbm4b:s4+s0], $0x80, s29, s0, $0xb8;
	[tilespmem:$0x1FF00] =	vst v63  }
0x53: {  	s7 =	simm.s32 @!p4 $0x2  }
0x54: {  	_ =	swait.ge @!p4 [sflag:s7], $0x4000  }
0x55: {  	[sflag:s7] =	ssyncset.done @!p4 $0x0  }
0x56: {  	[sflag:s7] =	ssyncadd.s32 @!p4 $0xFFFFC000  }
0x57: {  	s8 =	simm.s32 @!p4 $0x4280;
	_ =	swait.ge @!p4 [sflag:s7], $0x80  }
0x58: {  	s9 =	simm.s32 @!p4 $0x8300;
	p3 =	sge.u32 s22, s6;
	[sflag:s7] =	ssyncset.done @!p4 $0x0  }
0x59: {  	s11 =	simm.s32 @!p3 $0x4;
	[sflag:s7] =	ssyncadd.s32 @!p4 $0xFFFFFF80;
	s7 =	simm.s32 @!p4 $0x80  }
0x5a: {  	[spmem:s2] =	stream.indirect.scatter.add.f32 @!p4 [tilespmem:s9], [sflag:$0x4], $0x80, s8, s7, $0xb8;
	[tilespmem:$0x1FF00] =	vst v63  }
0x5b: {  	s7 =	sadd.s32 @!p3 $0x30, s31;
	s8 =	simm.s32 @!p3 $0x8300;
	_ =	swait.ge @!p3 [sflag:s11], $0x4000  }
0x5c: {  	s9 =	simm.s32 @!p3 $0x4280;
	s7 =	sand.u32 @!p3 $0x1FFFFFF0, s7;
	[sflag:s11] =	ssyncset.done @!p3 $0x0  }
0x5d: {  	s7 =	sadd.s32 @!p3 s5, s7;
	[sflag:s11] =	ssyncadd.s32 @!p3 $0xFFFFC000;
	s11 =	simm.s32 @!p3 $0x0  }
0x5e: {  	[tilespmem:s9], [sflag:$0x2] =	stream.linear.gather @!p3 [hbm4b:s7+s11], $0x80, $0x38;
	[tilespmem:$0x1FF00] =	vst v63  }
0x5f: {  	s9 =	sadd.s32 @!p3 $0x80, s29;
	s11 =	simm.s32 @!p3 $0x80;
	s7 =	simm.s32 @!p0 $0x1  }
0x60: {  	[tilespmem:s8], [sflag:$0x2] =	stream.indirect.gather @!p3 [hbm4b:s4+s11], $0x80, s9, s11, $0xb8;
	[tilespmem:$0x1FF00] =	vst v63  }
.Ltmp2:
0x61: {  	_ = 	snop;
	(pc) =	sbr.rel @p2 .LBB2_4-.Ltmp2, $4  }
0x62: {  	_ =	swait.ge @!p0 [sflag:s7], $0x4000  }
0x63: {  	[sflag:s7] =	ssyncset.done @!p0 $0x0  }
0x64: {  	s22 =	sadd.s32 $0x2, s22;
	s31 =	sadd.s32 $0x20, s31;
	[sflag:s7] =	ssyncadd.s32 @!p0 $0xFFFFC000  }
0x65: {  	s29 =	sadd.s32 $0x100, s29;
	s8 =	sadd.s32 $0xFFFFFFFF, s22;
	_ =	swait.ge @!p0 [sflag:s7], $0x80  }
.LBB2_5:
0x66: {  	p0 =	por p0, !p1  }
0x67: {  	p1 =	sge.u32 s8, s6;
	[sflag:s7] =	ssyncset.done @!p0 $0x0  }
0x68: {  	s8 =	simm.s32 @!p1 $0x3;
	[sflag:s7] =	ssyncadd.s32 @!p0 $0xFFFFFF80  }
0x69: {  	[spmem:s2] =	stream.indirect.scatter.add.f32 @!p0 [tilespmem:s1], [sflag:$0x3], $0x80, s30, s0, $0xb8;
	[tilespmem:$0x1FF00] =	vst v63  }
0x6a: {  	s23 =	sadd.s32 $0xFFFFFFFE, s22;
	p0 =	por p1, p1;
	_ =	swait.ge @!p1 [sflag:s8], $0x4000  }
0x6b: {  	p2 =	sge.u32 s23, s6;
	s0 =	simm.s32 @!p0 $0x4200;
	[sflag:s8] =	ssyncset.done @!p0 $0x0  }
0x6c: {  	s7 =	sadd.s32 @!p0 s31, s14;
	[sflag:s8] =	ssyncadd.s32 @!p0 $0xFFFFC000;
	s8 =	simm.s32 @!p0 $0x0  }
0x6d: {  	[tilespmem:s0], [sflag:$0x1] =	stream.linear.gather @!p0 [hbm4b:s7+s8], $0x80, $0x38;
	[tilespmem:$0x1FF00] =	vst v63  }
0x6e: {  	s1 =	simm.s32 @!p2 $0x2;
	s7 =	simm.s32 @!p0 $0x80;
	s8 =	simm.s32 @!p0 $0x4300  }
0x6f: {  	[tilespmem:s8], [sflag:$0x1] =	stream.indirect.gather @!p0 [hbm4b:s4+s7], $0x80, s29, s7, $0xb8;
	[tilespmem:$0x1FF00] =	vst v63  }
0x70: {  	_ =	swait.ge @!p2 [sflag:s1], $0x4000  }
0x71: {  	[sflag:s1] =	ssyncset.done @!p2 $0x0  }
0x72: {  	[sflag:s1] =	ssyncadd.s32 @!p2 $0xFFFFC000  }
0x73: {  	s9 =	simm.s32 @!p2 $0x4280;
	_ =	swait.ge @!p2 [sflag:s1], $0x80  }
0x74: {  	s11 =	simm.s32 @!p2 $0x8300;
	p1 =	sge.u32 s22, s6;
	[sflag:s1] =	ssyncset.done @!p2 $0x0  }
0x75: {  	s22 =	simm.s32 @!p1 $0x4;
	[sflag:s1] =	ssyncadd.s32 @!p2 $0xFFFFFF80;
	s1 =	simm.s32 @!p2 $0x80  }
0x76: {  	[spmem:s2] =	stream.indirect.scatter.add.f32 @!p2 [tilespmem:s11], [sflag:$0x4], $0x80, s9, s1, $0xb8;
	[tilespmem:$0x1FF00] =	vst v63  }
0x77: {  	s1 =	sadd.s32 @!p1 $0x30, s31;
	s9 =	simm.s32 @!p1 $0x8300;
	_ =	swait.ge @!p1 [sflag:s22], $0x4000  }
0x78: {  	s11 =	simm.s32 @!p1 $0x4280;
	s1 =	sand.u32 @!p1 $0x1FFFFFF0, s1;
	[sflag:s22] =	ssyncset.done @!p1 $0x0  }
0x79: {  	s1 =	sadd.s32 @!p1 s5, s1;
	[sflag:s22] =	ssyncadd.s32 @!p1 $0xFFFFC000;
	s22 =	simm.s32 @!p1 $0x0  }
0x7a: {  	[tilespmem:s11], [sflag:$0x2] =	stream.linear.gather @!p1 [hbm4b:s1+s22], $0x80, $0x38;
	[tilespmem:$0x1FF00] =	vst v63  }
0x7b: {  	s1 =	sadd.s32 @!p1 $0x80, s29;
	s11 =	simm.s32 @!p1 $0x80;
	s22 =	simm.s32 @!p0 $0x1  }
0x7c: {  	[tilespmem:s9], [sflag:$0x2] =	stream.indirect.gather @!p1 [hbm4b:s4+s11], $0x80, s1, s11, $0xb8;
	[tilespmem:$0x1FF00] =	vst v63  }
0x7d: {  	_ =	swait.ge @!p0 [sflag:s22], $0x4000  }
0x7e: {  	[sflag:s22] =	ssyncset.done @!p0 $0x0  }
0x7f: {  	[sflag:s22] =	ssyncadd.s32 @!p0 $0xFFFFC000  }
0x80: {  	_ =	swait.ge @!p0 [sflag:s22], $0x80  }
0x81: {  	[sflag:s22] =	ssyncset.done @!p0 $0x0  }
0x82: {  	[sflag:s22] =	ssyncadd.s32 @!p0 $0xFFFFFF80  }
0x83: {  	[spmem:s2] =	stream.indirect.scatter.add.f32 @!p0 [tilespmem:s8], [sflag:$0x3], $0x80, s0, s7, $0xb8;
	[tilespmem:$0x1FF00] =	vst v63  }
0x84: {  	_ =	swait.ge [sflag:s25], $0x4000  }
0x85: {  	[sflag:s25] =	ssyncset.done $0x0  }
0x86: {  	[sflag:s25] =	ssyncadd.s32 $0xFFFFC000  }
0x87: {  	_ =	swait.ge [sflag:s26], $0x4000  }
0x88: {  	[sflag:s26] =	ssyncset.done $0x0  }
0x89: {  	[sflag:s26] =	ssyncadd.s32 $0xFFFFC000  }
0x8a: {  	[bflag:$0x0] =	sbarrier.arrive $0xFFFF  }
0x8b: {  	s30 =	rddreg [dreg:$0x5]  }
0x8c: {  	[hbm:s30], [sflag:s17] =	dma.local [spmem:s18], $0x2780  }
0x8d: {  	_ =	swait.ge [sflag:s16], $0x2780  }
0x8e: {  	s28 =	sadd.s32 $0x1, s28;
	s31 =	rddreg [dreg:$0x6]  }
0x8f: {  	p0 =	sne.s32 s28, s31  }
.Ltmp3:
0x90: {  	_ = 	snop;
	(pc) =	sbr.rel @p0 .LBB2_1-.Ltmp3, $4  }
.Ltmp4:
0x91: {  	_ = 	snop;
	(pc) =	sbr.rel @!p0 .LBB2_6-.Ltmp4, $4  }
0x92: {  	_ = 	snop  }
0x93: {  	[sflag:s16] =	ssyncset.done $0x0  }
0x94: {  	[sflag:s16] =	ssyncadd.s32 $0xFFFFD880  }
0x95: {  	_ = 	snop  }
.LBB2_2:
.Ltmp5:
0x96: {  	(pc) =	sbr.rel .LBB2_5-.Ltmp5, $2  }
0x97: {  	_ =	sdelay $0x2  }
0x98: {  	s22 =	simm.s32 $0x3;
	s31 =	smov.u32 s15  }
.LBB2_6:
0x99: {  	_ =	sfence.sel $0x180000  }
0x9a: {  	[bflag:$0x0] =	sbarrier.arrive $0xFFFF  }
0x9b: {  	_ =	strace $0x9000004A  }
0x9c: {  	s0 =	stileid.u32;
	[bflag:$0x2] =	sbarrier.arrive $0xFFFF  }
0x9d: {  	p0 =	sne.s32 s0, $0x0;
	s0 =	rddreg [dreg:$0x2]  }
0x9e: {  	s0 =	sadd.s32 @!p0 $0x100000, s0  }
0x9f: {  	[sflag:s0] =	ssyncadd.tile.s32 @!p0 $0x1;
	_ =	shalt  }
.Lfunc_end2:
_tile_overlayer_lowered:
.L_overlay_start_2:
0xa0: {  	(tag) =	ssettag $0x2  }
0xa1: {  	s0 =	rddreg [dreg:$0x0];
	s2 =	stileid.u32  }
0xa2: {  	s1 =	rddreg [dreg:$0x1];
	p0 =	sne.s32 s2, $0x0  }
0xa3: {  	s3 =	rddreg [dreg:$0x2];
	[bflag:$0x3] =	sbarrier.arrive $0xFFFF;
	s2 =	simm.s32 @!p0 $0x1C05  }
0xa4: {  	[timem:s3], [sflag:s2] =	dma.local @!p0 [hbm:s0], s1  }
0xa5: {  	s0 =	simm.s32 @!p0 $0x5  }
0xa6: {  	_ =	swait.ge @!p0 [sflag:s0], s1  }
0xa7: {  	s1 =	ssub.s32 @!p0 $0x0, s1;
	[sflag:s0] =	ssyncset.done @!p0 $0x0  }
0xa8: {  	[sflag:s0] =	ssyncadd.s32 @!p0 s1  }
0xa9: {  	[bflag:$0x3] =	sbarrier.arrive $0xFFFF  }
0xaa: {  	_ =	shalt  }

// kernel: kernel.15.cloned.1.call-start
scs
__scs_entry_jumppad:
0x0: {  	(pc) =	sbr.rel $0x88, $3  }
0x1: {  	(tag) =	ssettag $0x0;
	lr =	simm.s32 $0x1  }
0x2: {  	[smem:$0x3F98] =	sst lr;
	_ =	strace $0xD0000000  }
0x3: {  	_ = 	snop  }
0x4: {  	_ = 	snop  }
0x5: {  	_ = 	snop  }
0x6: {  	_ = 	snop  }
0x7: {  	_ = 	snop  }
__scs_overlays_trampoline_lowered:
0x8: {  	[smem:$0x3FA7] =	sst s0  }
0x9: {  	[smem:$0x3FA8] =	sst s1  }
0xa: {  	[smem:$0x3FA9] =	sst s2  }
0xb: {  	[smem:$0x3FAA] =	sst s3  }
0xc: {  	[smem:$0x3FAB] =	sst s4  }
0xd: {  	[smem:$0x3FAC] =	sst s5  }
0xe: {  	[smem:$0x3FAD] =	sst s6  }
0xf: {  	[smem:$0x3FAE] =	sst s7  }
0x10: {  	[smem:$0x3FAF] =	sst s8  }
0x11: {  	[smem:$0x3FB0] =	sst s9;
	s0 =	simm.s32 @!p0 $0x0  }
0x12: {  	s1 =	sld [smem:$0x3F96];
	s0 =	simm.s32 @p0 $0x1  }
0x13: {  	[smem:$0x3FB1] =	sst s0;
	s0 =	simm.s32 @!p1 $0x0  }
0x14: {  	s2 =	sld [smem:$0x3F95];
	s0 =	simm.s32 @p1 $0x1  }
0x15: {  	[smem:$0x3FB2] =	sst s0;
	s0 =	simm.s32 @!p2 $0x0  }
0x16: {  	s3 =	sld [smem:$0x3FDB];
	s0 =	simm.s32 @p2 $0x1  }
0x17: {  	s4 =	simm.s32 $0x1BF5;
	[smem:$0x3FB4] =	sst s0  }
0x18: {  	s0 =	sld [smem:$0x3F97];
	_ =	swait.ge [sflag:s4], $0x0  }
0x19: {  	s7 =	sld [smem:$0x3F98]  }
0x1a: {  	s8 =	sadd.s32 $0xFFFFE003, lr  }
0x1b: {  	s9 =	sadd.s32 $0xFFFFFEF7, lr;
	s5 =	simm.s32 $0xFFFFFFFF;
	p2 =	slt.u32 s8, $0xFFFFF086  }
0x1c: {  	p1 =	slt.u32 s9, $0xF7A;
	s5 =	simm.s32 @!p2 $0x0  }
0x1d: {  	s5 =	simm.s32 @p1 $0x1;
	p0 =	seq.s32 s7, s2  }
0x1e: {  	s7 =	smul.u32 @!p0 $0xF7A, s2;
	p2 =	seq.s32 @!p0 s5, $0x0  }
0x1f: {  	s9 =	smul.u32 $0xF7A, s1;
	s8 =	simm.s32 @!p0 $0x1BF5;
	p2 =	por !p2, p0  }
0x20: {  	[sflag:s8] =	ssyncset.s32 @!p0 $0xFFFFF086;
	s6 =	sadd.s32 @!p0 s3, s7;
	s7 =	simm.s32 @!p0 $0x108  }
0x21: {  	s3 =	sadd.s32 s3, s9;
	s6 =	sadd.s32 @!p0 $0x88, s6;
	s7 =	simm.s32 @p2 $0x1082  }
0x22: {  	[simem:s7], [sflag:s8] =	dma.local @!p0 [hbm:s6], $0xF7A  }
0x23: {  	s9 =	sor.u32 $0xD0000000, s2;
	s6 =	simm.s32 $0x108;
	_ =	swait.ge @!p0 [sflag:s8], $0x0  }
0x24: {  	s3 =	sadd.s32 $0x88, s3;
	s6 =	simm.s32 @!p1 $0x1082;
	[sflag:s4] =	ssyncset.s32 $0xFFFFF086  }
0x25: {  	[simem:s6], [sflag:s4] =	dma.local [hbm:s3], $0xF7A  }
0x26: {  	[smem:$0x3F98] =	sst s1;
	(tag) =	ssettag s2;
	_ =	strace s9  }
0x27: {  	s1 =	sld [smem:$0x3FA8]  }
0x28: {  	s2 =	sld [smem:$0x3FA9]  }
0x29: {  	s4 =	sld [smem:$0x3FAB]  }
0x2a: {  	p0 =	seq.s32 s5, $0x0;
	s5 =	sld [smem:$0x3FAC]  }
0x2b: {  	s6 =	sld [smem:$0x3FAD]  }
0x2c: {  	s7 =	sld [smem:$0x3FAE]  }
0x2d: {  	s3 =	simm.s32 $0x108;
	s8 =	sld [smem:$0x3FAF]  }
0x2e: {  	s3 =	simm.s32 @!p0 $0x1082;
	s9 =	sld [smem:$0x3FB0]  }
0x2f: {  	lr =	sadd.s32 s0, s3;
	s0 =	sld [smem:$0x3FA7]  }
0x30: {  	s3 =	sld [smem:$0x3FAA]  }
0x31: {  	[smem:$0x3FB3] =	sst s10  }
0x32: {  	s10 =	sld [smem:$0x3FB1];
	_ =	sdelay $0x3  }
0x33: {  	p0 =	seq.s32 s10, $0x1;
	s10 =	sld [smem:$0x3FB3];
	_ =	sdelay $0x3  }
0x34: {  	[smem:$0x3FB3] =	sst s10  }
0x35: {  	s10 =	sld [smem:$0x3FB2];
	_ =	sdelay $0x3  }
0x36: {  	p1 =	seq.s32 s10, $0x1;
	s10 =	sld [smem:$0x3FB3];
	_ =	sdelay $0x3  }
0x37: {  	[smem:$0x3FB3] =	sst s10  }
0x38: {  	s10 =	sld [smem:$0x3FB4]  }
0x39: {  	_ = 	snop;
	(pc) =	sbr.ind lr, $3  }
0x3a: {  	_ = 	snop  }
0x3b: {  	_ = 	snop  }
0x3c: {  	p2 =	seq.s32 s10, $0x1;
	s10 =	sld [smem:$0x3FB3]  }
0x3d: {  	_ =	shalt  }
0x3e: {  	_ =	shalt  }
0x3f: {  	_ =	shalt  }
0x40: {  	_ =	shalt  }
0x41: {  	_ =	shalt  }
0x42: {  	_ =	shalt  }
0x43: {  	_ =	shalt  }
0x44: {  	_ =	shalt  }
0x45: {  	_ =	shalt  }
0x46: {  	_ =	shalt  }
0x47: {  	_ =	shalt  }
0x48: {  	_ =	shalt  }
0x49: {  	_ =	shalt  }
0x4a: {  	_ =	shalt  }
0x4b: {  	_ =	shalt  }
0x4c: {  	_ =	shalt  }
0x4d: {  	_ =	shalt  }
0x4e: {  	_ =	shalt  }
0x4f: {  	_ =	shalt  }
0x50: {  	_ =	shalt  }
0x51: {  	_ =	shalt  }
0x52: {  	_ =	shalt  }
0x53: {  	_ =	shalt  }
0x54: {  	_ =	shalt  }
0x55: {  	_ =	shalt  }
0x56: {  	_ =	shalt  }
0x57: {  	_ =	shalt  }
0x58: {  	_ =	shalt  }
0x59: {  	_ =	shalt  }
0x5a: {  	_ =	shalt  }
0x5b: {  	_ =	shalt  }
0x5c: {  	_ =	shalt  }
0x5d: {  	_ =	shalt  }
0x5e: {  	_ =	shalt  }
0x5f: {  	_ =	shalt  }
0x60: {  	_ =	shalt  }
0x61: {  	_ =	shalt  }
0x62: {  	_ =	shalt  }
0x63: {  	_ =	shalt  }
0x64: {  	_ =	shalt  }
0x65: {  	_ =	shalt  }
0x66: {  	_ =	shalt  }
0x67: {  	_ =	shalt  }
0x68: {  	_ =	shalt  }
0x69: {  	_ =	shalt  }
0x6a: {  	_ =	shalt  }
0x6b: {  	_ =	shalt  }
0x6c: {  	_ =	shalt  }
0x6d: {  	_ =	shalt  }
0x6e: {  	_ =	shalt  }
0x6f: {  	_ =	shalt  }
0x70: {  	_ =	shalt  }
0x71: {  	_ =	shalt  }
0x72: {  	_ =	shalt  }
0x73: {  	_ =	shalt  }
0x74: {  	_ =	shalt  }
0x75: {  	_ =	shalt  }
0x76: {  	_ =	shalt  }
0x77: {  	_ =	shalt  }
0x78: {  	_ =	shalt  }
0x79: {  	_ =	shalt  }
0x7a: {  	_ =	shalt  }
0x7b: {  	_ =	shalt  }
0x7c: {  	_ =	shalt  }
0x7d: {  	_ =	shalt  }
0x7e: {  	_ =	shalt  }
0x7f: {  	_ =	shalt  }
0x80: {  	_ =	shalt  }
0x81: {  	_ =	shalt  }
0x82: {  	_ =	shalt  }
0x83: {  	_ =	shalt  }
0x84: {  	_ =	shalt  }
0x85: {  	_ =	shalt  }
0x86: {  	_ =	shalt  }
0x87: {  	_ =	shalt  }
.Lfunc_end0:
.L_simem_size_0:
called_computation.2_lowered:
.L_overlay_start_0:
0x88: {  	s2 =	sld [smem:$0x3FD9]  }
0x89: {  	s3 =	sld [smem:$0x3FFE];
	_ =	sdelay $0x1  }
0x8a: {  	s1 =	srdreg.scid  }
0x8b: {  	s0 =	sand.u32 $0x1, s1  }
0x8c: {  	s16 =	sshll.u32 s0, $0xA;
	s2 =	sadd.s32 s3, s2  }
0x8d: {  	s2 =	sadd.s32 s2, s16  }
0x8e: {  	[smem:$0x3FBF] =	sst s2  }
0x8f: {  	_ = 	snop  }
0x90: {  	(tm) =	ssettm $0x1  }
0x91: {  	s17 =	sld [smem:$0x3FFB];
	_ =	sdelay $0x3  }
0x92: {  	_ =	strace s17  }
0x93: {  	s2 =	sld [smem:$0x3FFC];
	_ =	sdelay $0x3  }
0x94: {  	_ =	strace s2  }
0x95: {  	s2 =	sld [smem:$0x3FFD];
	_ =	sdelay $0x3  }
0x96: {  	_ =	strace s2  }
0x97: {  	_ =	strace $0x8FFFFFFF  }
0x98: {  	s18 =	sld [smem:$0x3FDB];
	_ =	sdelay $0x1  }
0x99: {  	s19 =	simm.s32 $_scs_section_size  }
0x9a: {  	s4 =	simm.s32 $_size__tile_overlayer_lowered;
	s5 =	simm.s32 $_tile_overlayer_lowered  }
0x9b: {  	s22 =	simm.s32 $0x1BFF;
	s21 =	sshll.u32 s5, $0x1;
	s2 =	sadd.s32 s19, s18  }
0x9c: {  	s6 =	simm.s32 $0x0;
	s20 =	sshll.u32 s4, $0x1;
	s4 =	sadd.s32 s21, s2  }
0x9d: {  	[timem:s6], [sflag:s22] =	dma.local [hbm:s4], s20  }
0x9e: {  	_ =	swait.ge [sflag:s22], s20  }
0x9f: {  	s3 =	ssub.s32 $0x0, s20;
	[sflag:s22] =	ssyncset.done $0x0  }
0xa0: {  	[sflag:s22] =	ssyncadd.s32 s3;
	_ =	sdelay $0x1  }
0xa1: {  	s23 =	simm.s32 $0x1B8B  }
0xa2: {  	_ =	swait.ge [sflag:s23], $0x1  }
0xa3: {  	[sflag:s23] =	ssyncset.done $0x0  }
0xa4: {  	s25 =	simm.s32 $0x1B8E;
	s24 =	sld [smem:$0x3FFE];
	[sflag:s23] =	ssyncadd.s32 $0xFFFFFFFF  }
0xa5: {  	s26 =	simm.s32 $execute0_lowered;
	[smem:$0x3FD2] =	sst s25  }
0xa6: {  	s4 =	sshll.u32 s26, $0x1;
	_ =	strace $0x8000004C;
	[dreg:$0x1] =	wrdreg $0xFFFFFFFF  }
0xa7: {  	s28 =	simm.s32 $_size_execute0_lowered;
	s2 =	sadd.s32 s2, s4;
	[dreg:$0x0] =	wrdreg $0x0  }
0xa8: {  	s4 =	sshll.u32 s28, $0x1;
	[dreg:$0x2] =	wrdreg s2  }
0xa9: {  	[dreg:$0x3] =	wrdreg s4  }
0xaa: {  	[dreg:$0x4] =	wrdreg $0xC0  }
0xab: {  	_ =	task [dreg:s6], $0x5FFFF  }
0xac: {  	[dreg:$0x1] =	wrdreg $0xFFFFFFFF  }
0xad: {  	[dreg:$0x0] =	wrdreg $0x60  }
0xae: {  	[dreg:$0x2] =	wrdreg s24  }
0xaf: {  	[dreg:$0x3] =	wrdreg $0xC3000  }
0xb0: {  	[dreg:$0x4] =	wrdreg $0x9  }
0xb1: {  	_ =	task.clear_ibuf [dreg:s6], $0x5FFFF;
	_ =	strace $0x9000004C  }
0xb2: {  	s29 =	simm.s32 $0x9;
	_ =	strace $0x8000004E  }
0xb3: {  	_ =	swait.ge [sflag:s29], $0x1  }
0xb4: {  	[sflag:s29] =	ssyncadd.s32 $0xFFFFFFFF  }
0xb5: {  	_ =	strace $0x9000004E  }
0xb6: {  	_ =	sfence  }
0xb7: {  	s30 =	sld [smem:$0x0];
	_ =	sdelay $0x2  }
0xb8: {  	s31 =	sshll.u32 s1, $0xD;
	s1 =	sshrl.u32 s1, $0x2  }
0xb9: {  	s3 =	sand.u32 $0x4000, s31;
	s1 =	sadd.s32 s1, s30  }
0xba: {  	s0 =	sor.u32 s3, s0;
	s1 =	sshll.u32 s1, $0x11  }
0xbb: {  	s0 =	sor.u32 s1, s0  }
0xbc: {  	s0 =	sadd.s32 $0x8F2B, s0  }
0xbd: {  	[sflag:s0] =	ssyncadd.remote.s32 $0x1  }
0xbe: {  	_ =	sfence.sel $0xFFFF  }
0xbf: {  	[dreg:$0x0] =	wrdreg $0xFFFFFFFF;
	(pc) =	sbr.abs _section_cstart, $3  }
0xc0: {  	[dreg:$0x1] =	wrdreg $0xFFFFFFFF  }
0xc1: {  	_ =	task.clear_ibuf [dreg:s6], $0x2FFFF;
	_ =	strace $0x9FFFFFFF  }
0xc2: {  	(tm) =	ssettm $0x7FFFFFFF  }
0xc3: {  	_ =	shalt  }
tec
execute0_lowered:
.L_overlay_start_1:
0x0: {  	(tag) =	ssettag $0x1  }
0x1: {  	s0 =	srdreg.scid  }
0x2: {  	s16 =	stileid.u32;
	s1 =	rddreg [dreg:$0x0]  }
0x3: {  	s2 =	rddreg [dreg:$0x1];
	s4 =	smul.u32 $0x9E, s16  }
0x4: {  	s3 =	simm.s32 $0x0;
	s19 =	simm.s32 $0x4200;
	s6 =	smul.u32 $0x13C00, s16  }
0x5: {  	s20 =	simm.s32 $0x80;
	s21 =	simm.s32 $0x4300;
	s12 =	smul.u32 $0x4F000, s16  }
0x6: {  	s28 =	simm.s32 $0x0;
	s0 =	sand.u32 $0x1, s0;
	s15 =	smul.u32 $0x9E0, s16  }
0x7: {  	[smem:$0x7FF] =	sst s3;
	s14 =	sadd.s32 $0xC420, s1;
	s5 =	smul.u32 $0x84, s0  }
0x8: {  	s31 =	sshll.u32 s16, $0x6;
	s16 =	simm.s32 $0x5;
	s7 =	smul.u32 $0x13C000, s0  }
0x9: {  	_ =	strace $0x8000004D;
	s11 =	ssub.s32 $0x2, s0;
	p0 =	seq.s32 s0, $0x0  }
0xa: {  	s0 =	smul.u32 $0x840, s0;
	s17 =	sor.u32 $0x1C05, s31;
	s10 =	sshrl.u32 s6, $0x3  }
0xb: {  	s13 =	sshrl.u32 s11, $0x1;
	s12 =	sshrl.u32 s12, $0x2;
	s5 =	sadd.s32 s5, s4  }
0xc: {  	s4 =	sadd.s32 $0x2A800, s1;
	s6 =	sadd.s32 s6, s7;
	s23 =	sadd.s32 s10, s1  }
0xd: {  	s11 =	ssub.s32 s11, s13;
	s18 =	sadd.s32 s12, s2;
	s15 =	sadd.s32 s0, s15  }
0xe: {  	s8 =	sshll.u32 s5, $0x4;
	s5 =	sadd.s32 $0xC400, s1;
	s6 =	sshrl.u32 s6, $0x3  }
0xf: {  	s7 =	sadd.s32 $0x51A00, s23;
	s30 =	smax.u32 s11, $0x1;
	s18 =	sshrl.u32 s18, $0x3  }
0x10: {  	s9 =	sadd.s32 s8, s1;
	s24 =	sadd.s32 s6, s1;
	[dreg:$0x4] =	wrdreg s7  }
0x11: {  	s6 =	simm.s32 $0x84;
	s10 =	sadd.s32 s5, s8;
	[dreg:$0x6] =	wrdreg s30  }
0x12: {  	s6 =	simm.s32 @!p0 $0x1A;
	s9 =	sadd.s32 $0x20200, s9;
	s29 =	sadd.s32 $0x79200, s24  }
0x13: {  	s12 =	sadd.s32 $0x10, s10;
	[dreg:$0x3] =	wrdreg s9;
	s25 =	sadd.s32 $0x2, s6  }
0x14: {  	s24 =	simm.s32 $0x1;
	[dreg:$0x5] =	wrdreg s29;
	s26 =	sshrl.u32 s25, $0x1  }
0x15: {  	s25 =	simm.s32 $0x3;
	s13 =	sadd.s32 $0xFFFFFFFF, s26;
	s26 =	simm.s32 $0x4  }
.LBB2_1:
0x16: {  	s0 =	rddreg [dreg:$0x3]  }
0x17: {  	[tilespmem:s3], [sflag:$0x5] =	stream.linear.gather [hbm4b:s0+s3], $0x4200, $0x38;
	[tilespmem:$0x1FF00] =	vst v63  }
0x18: {  	_ =	swait.ge [sflag:s16], $0x4200  }
0x19: {  	[sflag:s16] =	ssyncset.done $0x0  }
0x1a: {  	s23 =	rddreg [dreg:$0x4];
	[sflag:s16] =	ssyncadd.s32 $0xFFFFBE00  }
0x1b: {  	[spmem:s18], [sflag:s17] =	dma.local [hbm:s23], $0x2780  }
0x1c: {  	_ =	swait.ge [sflag:s16], $0x2780  }
0x1d: {  	[sflag:s16] =	ssyncset.done $0x0  }
0x1e: {  	[sflag:s16] =	ssyncadd.s32 $0xFFFFD880  }
0x1f: {  	[bflag:$0x0] =	sbarrier.arrive $0xFFFF  }
0x20: {  	[tilespmem:s19], [sflag:$0x1] =	stream.linear.gather [hbm4b:s10+s3], $0x80, $0x38;
	[tilespmem:$0x1FF00] =	vst v63  }
0x21: {  	_ = 	snop  }
0x22: {  	[tilespmem:s21], [sflag:$0x1] =	stream.indirect.gather [hbm4b:s4+s20], $0x80, s3, s20, $0xb8;
	[tilespmem:$0x1FF00] =	vst v63  }
0x23: {  	s30 =	simm.s32 $0x4280  }
0x24: {  	[tilespmem:s30], [sflag:$0x2] =	stream.linear.gather [hbm4b:s12+s3], $0x80, $0x38;
	[tilespmem:$0x1FF00] =	vst v63  }
0x25: {  	s31 =	simm.s32 $0x8300  }
0x26: {  	[tilespmem:s31], [sflag:$0x2] =	stream.indirect.gather [hbm4b:s4+s20], $0x80, s20, s20, $0xb8;
	[tilespmem:$0x1FF00] =	vst v63  }
0x27: {  	s22 =	sadd.s32 $0xFFFFFFFF, s13;
	_ =	swait.ge [sflag:s24], $0x4000  }
0x28: {  	p0 =	sne.s32 s22, $0x0;
	[sflag:s24] =	ssyncset.done $0x0  }
.Ltmp0:
0x29: {  	[sflag:s24] =	ssyncadd.s32 $0xFFFFC000;
	(pc) =	sbr.rel @!p0 .LBB2_2-.Ltmp0, $4  }
0x2a: {  	_ =	swait.ge [sflag:s24], $0x80  }
0x2b: {  	s29 =	simm.s32 $0x100;
	[sflag:s24] =	ssyncset.done $0x0  }
0x2c: {  	s8 =	simm.s32 $0x2;
	p1 =	por $0x0, $0x0;
	[sflag:s24] =	ssyncadd.s32 $0xFFFFFF80  }
0x2d: {  	[spmem:s2] =	stream.indirect.scatter.add.f32 [tilespmem:s21], [sflag:$0x3], $0x80, s19, s20, $0xb8;
	[tilespmem:$0x1FF00] =	vst v63  }
0x2e: {  	p0 =	sle.u32 s6, $0x2  }
0x2f: {  	s0 =	simm.s32 @!p0 $0x3  }
0x30: {  	_ =	swait.ge @!p0 [sflag:s0], $0x4000;
	p0 =	por p0, p0  }
0x31: {  	p2 =	sle.u32 s6, $0x1;
	[sflag:s0] =	ssyncset.done @!p0 $0x0;
	s30 =	simm.s32 @!p0 $0x4200  }
0x32: {  	s1 =	simm.s32 @!p0 $0x0;
	[sflag:s0] =	ssyncadd.s32 @!p0 $0xFFFFC000;
	s0 =	sadd.s32 @!p0 s15, s14  }
0x33: {  	[tilespmem:s30], [sflag:$0x1] =	stream.linear.gather @!p0 [hbm4b:s0+s1], $0x80, $0x38;
	[tilespmem:$0x1FF00] =	vst v63  }
0x34: {  	s7 =	simm.s32 @!p2 $0x2;
	s0 =	simm.s32 @!p0 $0x80;
	s1 =	simm.s32 @!p0 $0x4300  }
0x35: {  	[tilespmem:s1], [sflag:$0x1] =	stream.indirect.gather @!p0 [hbm4b:s4+s0], $0x80, s29, s0, $0xb8;
	[tilespmem:$0x1FF00] =	vst v63  }
0x36: {  	_ =	swait.ge @!p2 [sflag:s7], $0x4000  }
0x37: {  	[sflag:s7] =	ssyncset.done @!p2 $0x0  }
0x38: {  	[sflag:s7] =	ssyncadd.s32 @!p2 $0xFFFFC000  }
0x39: {  	p1 =	sle.u32 s6, $0x3;
	_ =	swait.ge @!p2 [sflag:s7], $0x80  }
0x3a: {  	s8 =	simm.s32 @!p2 $0x4280;
	s23 =	simm.s32 @!p2 $0x8300;
	[sflag:s7] =	ssyncset.done @!p2 $0x0  }
0x3b: {  	s29 =	simm.s32 @!p1 $0x4;
	[sflag:s7] =	ssyncadd.s32 @!p2 $0xFFFFFF80;
	s7 =	simm.s32 @!p2 $0x80  }
0x3c: {  	[spmem:s2] =	stream.indirect.scatter.add.f32 @!p2 [tilespmem:s23], [sflag:$0x4], $0x80, s8, s7, $0xb8;
	[tilespmem:$0x1FF00] =	vst v63  }
0x3d: {  	s7 =	sadd.s32 @!p1 $0x30, s15;
	_ =	swait.ge @!p1 [sflag:s29], $0x4000  }
0x3e: {  	s23 =	simm.s32 @!p1 $0x4280;
	s7 =	sand.u32 @!p1 $0x1FFFFFF0, s7;
	[sflag:s29] =	ssyncset.done @!p1 $0x0  }
0x3f: {  	s7 =	sadd.s32 @!p1 s5, s7;
	[sflag:s29] =	ssyncadd.s32 @!p1 $0xFFFFC000;
	s29 =	simm.s32 @!p1 $0x0  }
0x40: {  	[tilespmem:s23], [sflag:$0x2] =	stream.linear.gather @!p1 [hbm4b:s7+s29], $0x80, $0x38;
	[tilespmem:$0x1FF00] =	vst v63  }
0x41: {  	s8 =	simm.s32 @!p1 $0x8300;
	s23 =	simm.s32 @!p1 $0x180;
	s29 =	simm.s32 @!p1 $0x80  }
0x42: {  	[tilespmem:s8], [sflag:$0x2] =	stream.indirect.gather @!p1 [hbm4b:s4+s29], $0x80, s23, s29, $0xb8;
	[tilespmem:$0x1FF00] =	vst v63  }
0x43: {  	s23 =	sadd.s32 $0xFFFFFFFF, s22  }
0x44: {  	p2 =	sne.s32 s23, $0x0  }
.Ltmp1:
0x45: {  	s7 =	simm.s32 @!p0 $0x1;
	(pc) =	sbr.rel @!p2 .LBB2_5-.Ltmp1, $4  }
0x46: {  	_ =	swait.ge @!p0 [sflag:s7], $0x4000  }
0x47: {  	s31 =	sadd.s32 $0x20, s15;
	[sflag:s7] =	ssyncset.done @!p0 $0x0  }
0x48: {  	s22 =	simm.s32 $0x5;
	s8 =	simm.s32 $0x4;
	[sflag:s7] =	ssyncadd.s32 @!p0 $0xFFFFC000  }
0x49: {  	s29 =	simm.s32 $0x200;
	p1 =	por $0x1, $0x1;
	_ =	swait.ge @!p0 [sflag:s7], $0x80  }
.LBB2_4:
0x4a: {  	s23 =	sadd.s32 $0xFFFFFFFF, s23;
	p3 =	sge.u32 s8, s6;
	[sflag:s7] =	ssyncset.done @!p0 $0x0  }
0x4b: {  	p2 =	sne.s32 s23, $0x0;
	s8 =	simm.s32 @!p3 $0x3;
	[sflag:s7] =	ssyncadd.s32 @!p0 $0xFFFFFF80  }
0x4c: {  	[spmem:s2] =	stream.indirect.scatter.add.f32 @!p0 [tilespmem:s1], [sflag:$0x3], $0x80, s30, s0, $0xb8;
	[tilespmem:$0x1FF00] =	vst v63  }
0x4d: {  	p0 =	por p3, p3;
	_ =	swait.ge @!p3 [sflag:s8], $0x4000  }
0x4e: {  	s7 =	sadd.s32 $0xFFFFFFFE, s22;
	s30 =	simm.s32 @!p0 $0x4200;
	[sflag:s8] =	ssyncset.done @!p0 $0x0  }
0x4f: {  	s0 =	sadd.s32 @!p0 s31, s14;
	s1 =	simm.s32 @!p0 $0x0;
	[sflag:s8] =	ssyncadd.s32 @!p0 $0xFFFFC000  }
0x50: {  	[tilespmem:s30], [sflag:$0x1] =	stream.linear.gather @!p0 [hbm4b:s0+s1], $0x80, $0x38;
	[tilespmem:$0x1FF00] =	vst v63  }
0x51: {  	p4 =	sge.u32 s7, s6;
	s0 =	simm.s32 @!p0 $0x80;
	s1 =	simm.s32 @!p0 $0x4300  }
0x52: {  	[tilespmem:s1], [sflag:$0x1] =	stream.indirect.gather @!p0 [hbm4b:s4+s0], $0x80, s29, s0, $0xb8;
	[tilespmem:$0x1FF00] =	vst v63  }
0x53: {  	s7 =	simm.s32 @!p4 $0x2  }
0x54: {  	_ =	swait.ge @!p4 [sflag:s7], $0x4000  }
0x55: {  	[sflag:s7] =	ssyncset.done @!p4 $0x0  }
0x56: {  	[sflag:s7] =	ssyncadd.s32 @!p4 $0xFFFFC000  }
0x57: {  	s8 =	simm.s32 @!p4 $0x4280;
	_ =	swait.ge @!p4 [sflag:s7], $0x80  }
0x58: {  	s9 =	simm.s32 @!p4 $0x8300;
	p3 =	sge.u32 s22, s6;
	[sflag:s7] =	ssyncset.done @!p4 $0x0  }
0x59: {  	s11 =	simm.s32 @!p3 $0x4;
	[sflag:s7] =	ssyncadd.s32 @!p4 $0xFFFFFF80;
	s7 =	simm.s32 @!p4 $0x80  }
0x5a: {  	[spmem:s2] =	stream.indirect.scatter.add.f32 @!p4 [tilespmem:s9], [sflag:$0x4], $0x80, s8, s7, $0xb8;
	[tilespmem:$0x1FF00] =	vst v63  }
0x5b: {  	s7 =	sadd.s32 @!p3 $0x30, s31;
	s8 =	simm.s32 @!p3 $0x8300;
	_ =	swait.ge @!p3 [sflag:s11], $0x4000  }
0x5c: {  	s9 =	simm.s32 @!p3 $0x4280;
	s7 =	sand.u32 @!p3 $0x1FFFFFF0, s7;
	[sflag:s11] =	ssyncset.done @!p3 $0x0  }
0x5d: {  	s7 =	sadd.s32 @!p3 s5, s7;
	[sflag:s11] =	ssyncadd.s32 @!p3 $0xFFFFC000;
	s11 =	simm.s32 @!p3 $0x0  }
0x5e: {  	[tilespmem:s9], [sflag:$0x2] =	stream.linear.gather @!p3 [hbm4b:s7+s11], $0x80, $0x38;
	[tilespmem:$0x1FF00] =	vst v63  }
0x5f: {  	s9 =	sadd.s32 @!p3 $0x80, s29;
	s11 =	simm.s32 @!p3 $0x80;
	s7 =	simm.s32 @!p0 $0x1  }
0x60: {  	[tilespmem:s8], [sflag:$0x2] =	stream.indirect.gather @!p3 [hbm4b:s4+s11], $0x80, s9, s11, $0xb8;
	[tilespmem:$0x1FF00] =	vst v63  }
.Ltmp2:
0x61: {  	_ = 	snop;
	(pc) =	sbr.rel @p2 .LBB2_4-.Ltmp2, $4  }
0x62: {  	_ =	swait.ge @!p0 [sflag:s7], $0x4000  }
0x63: {  	[sflag:s7] =	ssyncset.done @!p0 $0x0  }
0x64: {  	s22 =	sadd.s32 $0x2, s22;
	s31 =	sadd.s32 $0x20, s31;
	[sflag:s7] =	ssyncadd.s32 @!p0 $0xFFFFC000  }
0x65: {  	s29 =	sadd.s32 $0x100, s29;
	s8 =	sadd.s32 $0xFFFFFFFF, s22;
	_ =	swait.ge @!p0 [sflag:s7], $0x80  }
.LBB2_5:
0x66: {  	p0 =	por p0, !p1  }
0x67: {  	p1 =	sge.u32 s8, s6;
	[sflag:s7] =	ssyncset.done @!p0 $0x0  }
0x68: {  	s8 =	simm.s32 @!p1 $0x3;
	[sflag:s7] =	ssyncadd.s32 @!p0 $0xFFFFFF80  }
0x69: {  	[spmem:s2] =	stream.indirect.scatter.add.f32 @!p0 [tilespmem:s1], [sflag:$0x3], $0x80, s30, s0, $0xb8;
	[tilespmem:$0x1FF00] =	vst v63  }
0x6a: {  	s23 =	sadd.s32 $0xFFFFFFFE, s22;
	p0 =	por p1, p1;
	_ =	swait.ge @!p1 [sflag:s8], $0x4000  }
0x6b: {  	p2 =	sge.u32 s23, s6;
	s0 =	simm.s32 @!p0 $0x4200;
	[sflag:s8] =	ssyncset.done @!p0 $0x0  }
0x6c: {  	s7 =	sadd.s32 @!p0 s31, s14;
	[sflag:s8] =	ssyncadd.s32 @!p0 $0xFFFFC000;
	s8 =	simm.s32 @!p0 $0x0  }
0x6d: {  	[tilespmem:s0], [sflag:$0x1] =	stream.linear.gather @!p0 [hbm4b:s7+s8], $0x80, $0x38;
	[tilespmem:$0x1FF00] =	vst v63  }
0x6e: {  	s1 =	simm.s32 @!p2 $0x2;
	s7 =	simm.s32 @!p0 $0x80;
	s8 =	simm.s32 @!p0 $0x4300  }
0x6f: {  	[tilespmem:s8], [sflag:$0x1] =	stream.indirect.gather @!p0 [hbm4b:s4+s7], $0x80, s29, s7, $0xb8;
	[tilespmem:$0x1FF00] =	vst v63  }
0x70: {  	_ =	swait.ge @!p2 [sflag:s1], $0x4000  }
0x71: {  	[sflag:s1] =	ssyncset.done @!p2 $0x0  }
0x72: {  	[sflag:s1] =	ssyncadd.s32 @!p2 $0xFFFFC000  }
0x73: {  	s9 =	simm.s32 @!p2 $0x4280;
	_ =	swait.ge @!p2 [sflag:s1], $0x80  }
0x74: {  	s11 =	simm.s32 @!p2 $0x8300;
	p1 =	sge.u32 s22, s6;
	[sflag:s1] =	ssyncset.done @!p2 $0x0  }
0x75: {  	s22 =	simm.s32 @!p1 $0x4;
	[sflag:s1] =	ssyncadd.s32 @!p2 $0xFFFFFF80;
	s1 =	simm.s32 @!p2 $0x80  }
0x76: {  	[spmem:s2] =	stream.indirect.scatter.add.f32 @!p2 [tilespmem:s11], [sflag:$0x4], $0x80, s9, s1, $0xb8;
	[tilespmem:$0x1FF00] =	vst v63  }
0x77: {  	s1 =	sadd.s32 @!p1 $0x30, s31;
	s9 =	simm.s32 @!p1 $0x8300;
	_ =	swait.ge @!p1 [sflag:s22], $0x4000  }
0x78: {  	s11 =	simm.s32 @!p1 $0x4280;
	s1 =	sand.u32 @!p1 $0x1FFFFFF0, s1;
	[sflag:s22] =	ssyncset.done @!p1 $0x0  }
0x79: {  	s1 =	sadd.s32 @!p1 s5, s1;
	[sflag:s22] =	ssyncadd.s32 @!p1 $0xFFFFC000;
	s22 =	simm.s32 @!p1 $0x0  }
0x7a: {  	[tilespmem:s11], [sflag:$0x2] =	stream.linear.gather @!p1 [hbm4b:s1+s22], $0x80, $0x38;
	[tilespmem:$0x1FF00] =	vst v63  }
0x7b: {  	s1 =	sadd.s32 @!p1 $0x80, s29;
	s11 =	simm.s32 @!p1 $0x80;
	s22 =	simm.s32 @!p0 $0x1  }
0x7c: {  	[tilespmem:s9], [sflag:$0x2] =	stream.indirect.gather @!p1 [hbm4b:s4+s11], $0x80, s1, s11, $0xb8;
	[tilespmem:$0x1FF00] =	vst v63  }
0x7d: {  	_ =	swait.ge @!p0 [sflag:s22], $0x4000  }
0x7e: {  	[sflag:s22] =	ssyncset.done @!p0 $0x0  }
0x7f: {  	[sflag:s22] =	ssyncadd.s32 @!p0 $0xFFFFC000  }
0x80: {  	_ =	swait.ge @!p0 [sflag:s22], $0x80  }
0x81: {  	[sflag:s22] =	ssyncset.done @!p0 $0x0  }
0x82: {  	[sflag:s22] =	ssyncadd.s32 @!p0 $0xFFFFFF80  }
0x83: {  	[spmem:s2] =	stream.indirect.scatter.add.f32 @!p0 [tilespmem:s8], [sflag:$0x3], $0x80, s0, s7, $0xb8;
	[tilespmem:$0x1FF00] =	vst v63  }
0x84: {  	_ =	swait.ge [sflag:s25], $0x4000  }
0x85: {  	[sflag:s25] =	ssyncset.done $0x0  }
0x86: {  	[sflag:s25] =	ssyncadd.s32 $0xFFFFC000  }
0x87: {  	_ =	swait.ge [sflag:s26], $0x4000  }
0x88: {  	[sflag:s26] =	ssyncset.done $0x0  }
0x89: {  	[sflag:s26] =	ssyncadd.s32 $0xFFFFC000  }
0x8a: {  	[bflag:$0x0] =	sbarrier.arrive $0xFFFF  }
0x8b: {  	s30 =	rddreg [dreg:$0x5]  }
0x8c: {  	[hbm:s30], [sflag:s17] =	dma.local [spmem:s18], $0x2780  }
0x8d: {  	_ =	swait.ge [sflag:s16], $0x2780  }
0x8e: {  	s28 =	sadd.s32 $0x1, s28;
	s31 =	rddreg [dreg:$0x6]  }
0x8f: {  	p0 =	sne.s32 s28, s31  }
.Ltmp3:
0x90: {  	_ = 	snop;
	(pc) =	sbr.rel @p0 .LBB2_1-.Ltmp3, $4  }
.Ltmp4:
0x91: {  	_ = 	snop;
	(pc) =	sbr.rel @!p0 .LBB2_6-.Ltmp4, $4  }
0x92: {  	_ = 	snop  }
0x93: {  	[sflag:s16] =	ssyncset.done $0x0  }
0x94: {  	[sflag:s16] =	ssyncadd.s32 $0xFFFFD880  }
0x95: {  	_ = 	snop  }
.LBB2_2:
.Ltmp5:
0x96: {  	(pc) =	sbr.rel .LBB2_5-.Ltmp5, $2  }
0x97: {  	_ =	sdelay $0x2  }
0x98: {  	s22 =	simm.s32 $0x3;
	s31 =	smov.u32 s15  }
.LBB2_6:
0x99: {  	_ =	sfence.sel $0x180000  }
0x9a: {  	[bflag:$0x0] =	sbarrier.arrive $0xFFFF  }
0x9b: {  	_ =	strace $0x9000004D  }
0x9c: {  	s0 =	stileid.u32;
	[bflag:$0x2] =	sbarrier.arrive $0xFFFF  }
0x9d: {  	p0 =	sne.s32 s0, $0x0;
	s0 =	rddreg [dreg:$0x2]  }
0x9e: {  	s0 =	sadd.s32 @!p0 $0x100000, s0  }
0x9f: {  	[sflag:s0] =	ssyncadd.tile.s32 @!p0 $0x1;
	_ =	shalt  }
.Lfunc_end2:
_tile_overlayer_lowered:
.L_overlay_start_2:
0xa0: {  	(tag) =	ssettag $0x2  }
0xa1: {  	s0 =	rddreg [dreg:$0x0];
	s2 =	stileid.u32  }
0xa2: {  	s1 =	rddreg [dreg:$0x1];
	p0 =	sne.s32 s2, $0x0  }
0xa3: {  	s3 =	rddreg [dreg:$0x2];
	[bflag:$0x3] =	sbarrier.arrive $0xFFFF;
	s2 =	simm.s32 @!p0 $0x1C05  }
0xa4: {  	[timem:s3], [sflag:s2] =	dma.local @!p0 [hbm:s0], s1  }
0xa5: {  	s0 =	simm.s32 @!p0 $0x5  }
0xa6: {  	_ =	swait.ge @!p0 [sflag:s0], s1  }
0xa7: {  	s1 =	ssub.s32 @!p0 $0x0, s1;
	[sflag:s0] =	ssyncset.done @!p0 $0x0  }
0xa8: {  	[sflag:s0] =	ssyncadd.s32 @!p0 s1  }
0xa9: {  	[bflag:$0x3] =	sbarrier.arrive $0xFFFF  }
0xaa: {  	_ =	shalt  }

// kernel: kernel.9.cloned.1.call-start
scs
__scs_entry_jumppad:
0x0: {  	(pc) =	sbr.rel $0x88, $3  }
0x1: {  	(tag) =	ssettag $0x0;
	lr =	simm.s32 $0x1  }
0x2: {  	[smem:$0x3F98] =	sst lr;
	_ =	strace $0xD0000000  }
0x3: {  	_ = 	snop  }
0x4: {  	_ = 	snop  }
0x5: {  	_ = 	snop  }
0x6: {  	_ = 	snop  }
0x7: {  	_ = 	snop  }
__scs_overlays_trampoline_lowered:
0x8: {  	[smem:$0x3FA7] =	sst s0  }
0x9: {  	[smem:$0x3FA8] =	sst s1  }
0xa: {  	[smem:$0x3FA9] =	sst s2  }
0xb: {  	[smem:$0x3FAA] =	sst s3  }
0xc: {  	[smem:$0x3FAB] =	sst s4  }
0xd: {  	[smem:$0x3FAC] =	sst s5  }
0xe: {  	[smem:$0x3FAD] =	sst s6  }
0xf: {  	[smem:$0x3FAE] =	sst s7  }
0x10: {  	[smem:$0x3FAF] =	sst s8  }
0x11: {  	[smem:$0x3FB0] =	sst s9;
	s0 =	simm.s32 @!p0 $0x0  }
0x12: {  	s1 =	sld [smem:$0x3F96];
	s0 =	simm.s32 @p0 $0x1  }
0x13: {  	[smem:$0x3FB1] =	sst s0;
	s0 =	simm.s32 @!p1 $0x0  }
0x14: {  	s2 =	sld [smem:$0x3F95];
	s0 =	simm.s32 @p1 $0x1  }
0x15: {  	[smem:$0x3FB2] =	sst s0;
	s0 =	simm.s32 @!p2 $0x0  }
0x16: {  	s3 =	sld [smem:$0x3FDB];
	s0 =	simm.s32 @p2 $0x1  }
0x17: {  	s4 =	simm.s32 $0x1BF5;
	[smem:$0x3FB4] =	sst s0  }
0x18: {  	s0 =	sld [smem:$0x3F97];
	_ =	swait.ge [sflag:s4], $0x0  }
0x19: {  	s7 =	sld [smem:$0x3F98]  }
0x1a: {  	s8 =	sadd.s32 $0xFFFFE003, lr  }
0x1b: {  	s9 =	sadd.s32 $0xFFFFFEF7, lr;
	s5 =	simm.s32 $0xFFFFFFFF;
	p2 =	slt.u32 s8, $0xFFFFF086  }
0x1c: {  	p1 =	slt.u32 s9, $0xF7A;
	s5 =	simm.s32 @!p2 $0x0  }
0x1d: {  	s5 =	simm.s32 @p1 $0x1;
	p0 =	seq.s32 s7, s2  }
0x1e: {  	s7 =	smul.u32 @!p0 $0xF7A, s2;
	p2 =	seq.s32 @!p0 s5, $0x0  }
0x1f: {  	s9 =	smul.u32 $0xF7A, s1;
	s8 =	simm.s32 @!p0 $0x1BF5;
	p2 =	por !p2, p0  }
0x20: {  	[sflag:s8] =	ssyncset.s32 @!p0 $0xFFFFF086;
	s6 =	sadd.s32 @!p0 s3, s7;
	s7 =	simm.s32 @!p0 $0x108  }
0x21: {  	s3 =	sadd.s32 s3, s9;
	s6 =	sadd.s32 @!p0 $0x88, s6;
	s7 =	simm.s32 @p2 $0x1082  }
0x22: {  	[simem:s7], [sflag:s8] =	dma.local @!p0 [hbm:s6], $0xF7A  }
0x23: {  	s9 =	sor.u32 $0xD0000000, s2;
	s6 =	simm.s32 $0x108;
	_ =	swait.ge @!p0 [sflag:s8], $0x0  }
0x24: {  	s3 =	sadd.s32 $0x88, s3;
	s6 =	simm.s32 @!p1 $0x1082;
	[sflag:s4] =	ssyncset.s32 $0xFFFFF086  }
0x25: {  	[simem:s6], [sflag:s4] =	dma.local [hbm:s3], $0xF7A  }
0x26: {  	[smem:$0x3F98] =	sst s1;
	(tag) =	ssettag s2;
	_ =	strace s9  }
0x27: {  	s1 =	sld [smem:$0x3FA8]  }
0x28: {  	s2 =	sld [smem:$0x3FA9]  }
0x29: {  	s4 =	sld [smem:$0x3FAB]  }
0x2a: {  	p0 =	seq.s32 s5, $0x0;
	s5 =	sld [smem:$0x3FAC]  }
0x2b: {  	s6 =	sld [smem:$0x3FAD]  }
0x2c: {  	s7 =	sld [smem:$0x3FAE]  }
0x2d: {  	s3 =	simm.s32 $0x108;
	s8 =	sld [smem:$0x3FAF]  }
0x2e: {  	s3 =	simm.s32 @!p0 $0x1082;
	s9 =	sld [smem:$0x3FB0]  }
0x2f: {  	lr =	sadd.s32 s0, s3;
	s0 =	sld [smem:$0x3FA7]  }
0x30: {  	s3 =	sld [smem:$0x3FAA]  }
0x31: {  	[smem:$0x3FB3] =	sst s10  }
0x32: {  	s10 =	sld [smem:$0x3FB1];
	_ =	sdelay $0x3  }
0x33: {  	p0 =	seq.s32 s10, $0x1;
	s10 =	sld [smem:$0x3FB3];
	_ =	sdelay $0x3  }
0x34: {  	[smem:$0x3FB3] =	sst s10  }
0x35: {  	s10 =	sld [smem:$0x3FB2];
	_ =	sdelay $0x3  }
0x36: {  	p1 =	seq.s32 s10, $0x1;
	s10 =	sld [smem:$0x3FB3];
	_ =	sdelay $0x3  }
0x37: {  	[smem:$0x3FB3] =	sst s10  }
0x38: {  	s10 =	sld [smem:$0x3FB4]  }
0x39: {  	_ = 	snop;
	(pc) =	sbr.ind lr, $3  }
0x3a: {  	_ = 	snop  }
0x3b: {  	_ = 	snop  }
0x3c: {  	p2 =	seq.s32 s10, $0x1;
	s10 =	sld [smem:$0x3FB3]  }
0x3d: {  	_ =	shalt  }
0x3e: {  	_ =	shalt  }
0x3f: {  	_ =	shalt  }
0x40: {  	_ =	shalt  }
0x41: {  	_ =	shalt  }
0x42: {  	_ =	shalt  }
0x43: {  	_ =	shalt  }
0x44: {  	_ =	shalt  }
0x45: {  	_ =	shalt  }
0x46: {  	_ =	shalt  }
0x47: {  	_ =	shalt  }
0x48: {  	_ =	shalt  }
0x49: {  	_ =	shalt  }
0x4a: {  	_ =	shalt  }
0x4b: {  	_ =	shalt  }
0x4c: {  	_ =	shalt  }
0x4d: {  	_ =	shalt  }
0x4e: {  	_ =	shalt  }
0x4f: {  	_ =	shalt  }
0x50: {  	_ =	shalt  }
0x51: {  	_ =	shalt  }
0x52: {  	_ =	shalt  }
0x53: {  	_ =	shalt  }
0x54: {  	_ =	shalt  }
0x55: {  	_ =	shalt  }
0x56: {  	_ =	shalt  }
0x57: {  	_ =	shalt  }
0x58: {  	_ =	shalt  }
0x59: {  	_ =	shalt  }
0x5a: {  	_ =	shalt  }
0x5b: {  	_ =	shalt  }
0x5c: {  	_ =	shalt  }
0x5d: {  	_ =	shalt  }
0x5e: {  	_ =	shalt  }
0x5f: {  	_ =	shalt  }
0x60: {  	_ =	shalt  }
0x61: {  	_ =	shalt  }
0x62: {  	_ =	shalt  }
0x63: {  	_ =	shalt  }
0x64: {  	_ =	shalt  }
0x65: {  	_ =	shalt  }
0x66: {  	_ =	shalt  }
0x67: {  	_ =	shalt  }
0x68: {  	_ =	shalt  }
0x69: {  	_ =	shalt  }
0x6a: {  	_ =	shalt  }
0x6b: {  	_ =	shalt  }
0x6c: {  	_ =	shalt  }
0x6d: {  	_ =	shalt  }
0x6e: {  	_ =	shalt  }
0x6f: {  	_ =	shalt  }
0x70: {  	_ =	shalt  }
0x71: {  	_ =	shalt  }
0x72: {  	_ =	shalt  }
0x73: {  	_ =	shalt  }
0x74: {  	_ =	shalt  }
0x75: {  	_ =	shalt  }
0x76: {  	_ =	shalt  }
0x77: {  	_ =	shalt  }
0x78: {  	_ =	shalt  }
0x79: {  	_ =	shalt  }
0x7a: {  	_ =	shalt  }
0x7b: {  	_ =	shalt  }
0x7c: {  	_ =	shalt  }
0x7d: {  	_ =	shalt  }
0x7e: {  	_ =	shalt  }
0x7f: {  	_ =	shalt  }
0x80: {  	_ =	shalt  }
0x81: {  	_ =	shalt  }
0x82: {  	_ =	shalt  }
0x83: {  	_ =	shalt  }
0x84: {  	_ =	shalt  }
0x85: {  	_ =	shalt  }
0x86: {  	_ =	shalt  }
0x87: {  	_ =	shalt  }
.Lfunc_end0:
.L_simem_size_0:
called_computation_lowered:
.L_overlay_start_0:
0x88: {  	s2 =	sld [smem:$0x3FD9]  }
0x89: {  	s3 =	sld [smem:$0x3FFE];
	_ =	sdelay $0x1  }
0x8a: {  	s1 =	srdreg.scid  }
0x8b: {  	s0 =	sand.u32 $0x1, s1  }
0x8c: {  	s16 =	sshll.u32 s0, $0xA;
	s2 =	sadd.s32 s3, s2  }
0x8d: {  	s2 =	sadd.s32 s2, s16  }
0x8e: {  	[smem:$0x3FBF] =	sst s2  }
0x8f: {  	_ = 	snop  }
0x90: {  	(tm) =	ssettm $0x1  }
0x91: {  	s17 =	sld [smem:$0x3FFB];
	_ =	sdelay $0x3  }
0x92: {  	_ =	strace s17  }
0x93: {  	s2 =	sld [smem:$0x3FFC];
	_ =	sdelay $0x3  }
0x94: {  	_ =	strace s2  }
0x95: {  	s2 =	sld [smem:$0x3FFD];
	_ =	sdelay $0x3  }
0x96: {  	_ =	strace s2  }
0x97: {  	_ =	strace $0x8FFFFFFF  }
0x98: {  	s18 =	sld [smem:$0x3FDB];
	_ =	sdelay $0x1  }
0x99: {  	s19 =	simm.s32 $_scs_section_size  }
0x9a: {  	s4 =	simm.s32 $_size__tile_overlayer_lowered;
	s5 =	simm.s32 $_tile_overlayer_lowered  }
0x9b: {  	s22 =	simm.s32 $0x1BFF;
	s21 =	sshll.u32 s5, $0x1;
	s2 =	sadd.s32 s19, s18  }
0x9c: {  	s6 =	simm.s32 $0x0;
	s20 =	sshll.u32 s4, $0x1;
	s4 =	sadd.s32 s21, s2  }
0x9d: {  	[timem:s6], [sflag:s22] =	dma.local [hbm:s4], s20  }
0x9e: {  	_ =	swait.ge [sflag:s22], s20  }
0x9f: {  	s3 =	ssub.s32 $0x0, s20;
	[sflag:s22] =	ssyncset.done $0x0  }
0xa0: {  	[sflag:s22] =	ssyncadd.s32 s3;
	_ =	sdelay $0x1  }
0xa1: {  	s23 =	simm.s32 $0x1B8B  }
0xa2: {  	_ =	swait.ge [sflag:s23], $0x1  }
0xa3: {  	[sflag:s23] =	ssyncset.done $0x0  }
0xa4: {  	s25 =	simm.s32 $0x1B8E;
	s24 =	sld [smem:$0x3FFE];
	[sflag:s23] =	ssyncadd.s32 $0xFFFFFFFF  }
0xa5: {  	s26 =	simm.s32 $execute0_lowered;
	[smem:$0x3FD2] =	sst s25  }
0xa6: {  	s4 =	sshll.u32 s26, $0x1;
	_ =	strace $0x80000046;
	[dreg:$0x1] =	wrdreg $0xFFFFFFFF  }
0xa7: {  	s28 =	simm.s32 $_size_execute0_lowered;
	s2 =	sadd.s32 s2, s4;
	[dreg:$0x0] =	wrdreg $0x0  }
0xa8: {  	s4 =	sshll.u32 s28, $0x1;
	[dreg:$0x2] =	wrdreg s2  }
0xa9: {  	[dreg:$0x3] =	wrdreg s4  }
0xaa: {  	[dreg:$0x4] =	wrdreg $0xC0  }
0xab: {  	_ =	task [dreg:s6], $0x5FFFF  }
0xac: {  	[dreg:$0x1] =	wrdreg $0xFFFFFFFF  }
0xad: {  	[dreg:$0x0] =	wrdreg $0x60  }
0xae: {  	[dreg:$0x2] =	wrdreg s24  }
0xaf: {  	[dreg:$0x3] =	wrdreg $0x9  }
0xb0: {  	_ =	task.clear_ibuf [dreg:s6], $0x4FFFF;
	_ =	strace $0x90000046  }
0xb1: {  	s29 =	simm.s32 $0x9;
	_ =	strace $0x80000048  }
0xb2: {  	_ =	swait.ge [sflag:s29], $0x1  }
0xb3: {  	[sflag:s29] =	ssyncadd.s32 $0xFFFFFFFF  }
0xb4: {  	_ =	strace $0x90000048  }
0xb5: {  	_ =	sfence  }
0xb6: {  	s30 =	sld [smem:$0x0];
	_ =	sdelay $0x2  }
0xb7: {  	s31 =	sshll.u32 s1, $0xD;
	s1 =	sshrl.u32 s1, $0x2  }
0xb8: {  	s3 =	sand.u32 $0x4000, s31;
	s1 =	sadd.s32 s1, s30  }
0xb9: {  	s0 =	sor.u32 s3, s0;
	s1 =	sshll.u32 s1, $0x11  }
0xba: {  	s0 =	sor.u32 s1, s0  }
0xbb: {  	s0 =	sadd.s32 $0x8F2B, s0  }
0xbc: {  	[sflag:s0] =	ssyncadd.remote.s32 $0x1  }
0xbd: {  	_ =	sfence.sel $0xFFFF  }
0xbe: {  	[dreg:$0x0] =	wrdreg $0xFFFFFFFF;
	(pc) =	sbr.abs _section_cstart, $3  }
0xbf: {  	[dreg:$0x1] =	wrdreg $0xFFFFFFFF  }
0xc0: {  	_ =	task.clear_ibuf [dreg:s6], $0x2FFFF;
	_ =	strace $0x9FFFFFFF  }
0xc1: {  	(tm) =	ssettm $0x7FFFFFFF  }
tec
execute0_lowered:
.L_overlay_start_1:
0x0: {  	(tag) =	ssettag $0x1  }
0x1: {  	s1 =	srdreg.scid;
	s0 =	stileid.u32  }
0x2: {  	s4 =	rddreg [dreg:$0x0];
	s3 =	sand.u32 $0x1, s1;
	s30 =	sshll.u32 s0, $0x1  }
0x3: {  	s2 =	simm.s32 $0x0;
	s8 =	simm.s32 $0x0;
	s5 =	sor.u32 s3, s30  }
0x4: {  	s1 =	rddreg [dreg:$0x1];
	s3 =	ssub.s32 $0x2, s3;
	s6 =	smul.u32 $0x4F0, s5  }
0x5: {  	[smem:$0x7FF] =	sst s2;
	s5 =	smul.u32 $0x500, s5;
	s7 =	sshrl.u32 s3, $0x1  }
0x6: {  	_ =	strace $0x80000047;
	s31 =	ssub.s32 s3, s7;
	s7 =	simm.s32 $0x2780  }
0x7: {  	s6 =	sadd.s32 s6, s4;
	s4 =	sadd.s32 s5, s4;
	s5 =	smax.u32 s31, $0x1  }
0x8: {  	v0 =	vimm.f32 $0.0e+00;
	v1 =	vimm.f32 $1.000000000e+00;
	s3 =	sadd.s32 $0x2600, s6;
	s4 =	sadd.s32 $0x16200, s4;
	s6 =	simm.s32 $0x1  }
.LBB2_1:
0x9: {  	s9 =	simm.s32 $0x70;
	s10 =	simm.s32 $0x3C0  }
.LBB2_2:
0xa: {  	p0 =	sne.s32 s10, $0x9DC0;
	[tilespmem:s9+$0x2780] =	vst v0  }
0xb: {  	[tilespmem:s9+$0x2710] =	vst v0  }
0xc: {  	[tilespmem:s9+$0x2720] =	vst v0  }
.Ltmp0:
0xd: {  	[tilespmem:s9+$0x2730] =	vst v0;
	(pc) =	sbr.rel @p0 .LBB2_2-.Ltmp0, $4  }
0xe: {  	[tilespmem:s9+$0x2740] =	vst v0  }
0xf: {  	[tilespmem:s9+$0x2750] =	vst v0  }
0x10: {  	[tilespmem:s9+$0x2760] =	vst v0  }
0x11: {  	[tilespmem:s9+$0x2770] =	vst v0;
	s9 =	sshra.s32 s10, $0x2;
	s10 =	sadd.s32 $0x200, s10  }
0x12: {  	[tilespmem:s9+$0x2780] =	vst v0  }
0x13: {  	[tilespmem:s9+$0x2710] =	vst v0  }
0x14: {  	[tilespmem:s9+$0x2720] =	vst v0  }
0x15: {  	[tilespmem:s9+$0x2730] =	vst v0  }
0x16: {  	[tilespmem:s9+$0x2740] =	vst v0  }
0x17: {  	[tilespmem:s9+$0x2750] =	vst v0  }
0x18: {  	[tilespmem:s9+$0x2760] =	vst v0  }
0x19: {  	[tilespmem:s9+$0x2770] =	vst v0;
	s31 =	simm.s32 $0x0  }
0x1a: {  	[tilespmem:s31], [sflag:$0x1] =	stream.linear.gather [hbm4b:s3+s31], $0x2780, $0x38;
	[tilespmem:$0x4F80] =	vst v63  }
0x1b: {  	_ =	swait.ge [sflag:s6], $0x2780  }
0x1c: {  	[sflag:s6] =	ssyncset.done $0x0  }
0x1d: {  	s10 =	simm.s32 $0x0;
	s9 =	simm.s32 $0x40;
	[sflag:s6] =	ssyncadd.s32 $0xFFFFD880  }
.LBB2_4:
0x1e: {  	p0 =	sne.s32 s9, $0x9DC0;
	v2 =	vld [tilespmem:s10+$0x0];
	_ =	sdelay $0x3  }
.Ltmp1:
0x1f: {  	(pc) =	sbr.rel @p0 .LBB2_4-.Ltmp1, $2  }
0x20: {  	_ =	sdelay $0x2  }
0x21: {  	s10 =	sshra.s32 s9, $0x2;
	s9 =	sadd.s32 $0x40, s9;
	[tilespmem:v2+s7+$0x0] =	vst.idx.add.f32.msk $0xffff, v1  }
0x22: {  	v2 =	vld [tilespmem:s10+$0x0];
	_ =	sdelay $0x5  }
0x23: {  	s8 =	sadd.s32 $0x1, s8  }
0x24: {  	p0 =	sne.s32 s8, s5  }
.Ltmp2:
0x25: {  	[tilespmem:v2+s7+$0x0] =	vst.idx.add.f32.msk $0xffff, v1;
	(pc) =	sbr.rel @p0 .LBB2_1-.Ltmp2, $4  }
0x26: {  	[hbm4b:s4+s2] =	stream.linear.scatter [tilespmem:s7], [sflag:$0x1], $0x2780, $0x38;
	[tilespmem:$0x4F80] =	vst v63  }
0x27: {  	_ =	swait.ge [sflag:s6], $0x2780  }
0x28: {  	[sflag:s6] =	ssyncset.done $0x0  }
0x29: {  	[sflag:s6] =	ssyncadd.s32 $0xFFFFD880  }
0x2a: {  	_ =	sfence.sel $0x180000  }
0x2b: {  	[bflag:$0x0] =	sbarrier.arrive $0xFFFF  }
0x2c: {  	p0 =	sne.s32 s0, $0x0;
	_ =	strace $0x90000047  }
0x2d: {  	s0 =	sadd.s32 @!p0 $0x100000, s1;
	[bflag:$0x2] =	sbarrier.arrive $0xFFFF  }
0x2e: {  	[sflag:s0] =	ssyncadd.tile.s32 @!p0 $0x1;
	_ =	shalt  }
.Lfunc_end2:
_tile_overlayer_lowered:
.L_overlay_start_2:
0x2f: {  	(tag) =	ssettag $0x2  }
0x30: {  	s0 =	rddreg [dreg:$0x0];
	s2 =	stileid.u32  }
0x31: {  	s1 =	rddreg [dreg:$0x1];
	p0 =	sne.s32 s2, $0x0  }
0x32: {  	s3 =	rddreg [dreg:$0x2];
	[bflag:$0x3] =	sbarrier.arrive $0xFFFF;
	s2 =	simm.s32 @!p0 $0x1C01  }
0x33: {  	[timem:s3], [sflag:s2] =	dma.local @!p0 [hbm:s0], s1  }
0x34: {  	s0 =	simm.s32 @!p0 $0x1  }
0x35: {  	_ =	swait.ge @!p0 [sflag:s0], s1  }
0x36: {  	s1 =	ssub.s32 @!p0 $0x0, s1;
	[sflag:s0] =	ssyncset.done @!p0 $0x0  }
0x37: {  	[sflag:s0] =	ssyncadd.s32 @!p0 s1  }
0x38: {  	[bflag:$0x3] =	sbarrier.arrive $0xFFFF  }
0x39: {  	_ =	shalt  }

</sc_bundles>
